<compile_context>
chip_gen: v7x
topology: tpu7x:2x2x1
jax: 0.10.2.dev20260603
libtpu: 0.0.44.dev20260713+nightly
codegen_flags: <defaults>
</compile_context>

<pallas_src>
import functools

import jax
import jax.numpy as jnp
from jax import lax
from jax.experimental import pallas as pl
from jax.experimental.pallas import tpu as pltpu
from jax.experimental.pallas import tpu_sc as plsc

N_NODES = 100000
NUM_EMB = 21
HIDDEN = 128

NC = 2
NS = 16
NW = NC * NS

PER_W = 3128
LAST_BASE = N_NODES - PER_W
CHUNK = 128
FULL = PER_W // CHUNK
TAIL = PER_W - FULL * CHUNK
CHUNKS = FULL + 1

NBUF = 4

_mesh = plsc.VectorSubcoreMesh(core_axis_name="c", subcore_axis_name="s")


@functools.partial(
    pl.kernel,
    mesh=_mesh,
    out_type=jax.ShapeDtypeStruct((N_NODES, HIDDEN), jnp.float32),
    scratch_types=[
        pltpu.VMEM_SHARED((NUM_EMB, HIDDEN), jnp.float32),
        pltpu.VMEM((PER_W,), jnp.int32),
        pltpu.VMEM((NBUF, CHUNK, HIDDEN), jnp.float32),
        pltpu.VMEM((TAIL, HIDDEN), jnp.float32),
        pltpu.SemaphoreType.DMA((NBUF,)),
        pltpu.SemaphoreType.DMA((NBUF,)),
        pltpu.SemaphoreType.DMA,
    ],
)
def _emb_lookup(idx_hbm, table_hbm, out_hbm, table_sh, idx_v, rows_v, tail_v,
                gsem, wsem, tsem):
    sid = lax.axis_index("s")
    wid = sid * NC + lax.axis_index("c")
    base = lax.min(wid * PER_W, LAST_BASE)

    icopy = pltpu.make_async_copy(idx_hbm.at[pl.ds(base, PER_W)], idx_v, gsem.at[0])
    icopy.start()

    @pl.when(sid == 0)
    def _stage_table():
        tc = pltpu.make_async_copy(table_hbm, table_sh, tsem)
        tc.start()
        tc.wait()

    icopy.wait()
    plsc.subcore_barrier()

    def gather(c, b):
        off = pl.multiple_of(c * CHUNK, CHUNK)
        return pltpu.make_async_copy(
            table_sh.at[idx_v.at[pl.ds(off, CHUNK)]], rows_v.at[b], gsem.at[b])

    def write(c, b):
        off = pl.multiple_of(c * CHUNK, CHUNK)
        return pltpu.make_async_copy(
            rows_v.at[b], out_hbm.at[pl.ds(base + off, CHUNK)], wsem.at[b])

    t_off = FULL * CHUNK
    tg = pltpu.make_async_copy(
        table_sh.at[idx_v.at[pl.ds(t_off, TAIL)]], tail_v, tsem)
    tg.start()
    for c in range(NBUF):
        gather(c, c).start()
        if c >= 2:
            gather(c - 2, c - 2).wait()
            write(c - 2, c - 2).start()

    def slot(c, carry):
        b = lax.rem(c, NBUF)
        pb = lax.rem(c + (NBUF - 2), NBUF)
        write(c - NBUF, b).wait()
        gather(c, b).start()
        gather(c - 2, pb).wait()
        write(c - 2, pb).start()
        return carry

    lax.fori_loop(NBUF, FULL, slot, 0)

    tg.wait()
    tw = pltpu.make_async_copy(
        tail_v, out_hbm.at[pl.ds(base + t_off, TAIL)], tsem)
    tw.start()
    for c in range(FULL - 2, FULL):
        gather(c, c % NBUF).wait()
        write(c, c % NBUF).start()
    for c in range(FULL - NBUF, FULL):
        write(c, c % NBUF).wait()
    tw.wait()


def kernel(x, emb_weight):
    return _emb_lookup(x.astype(jnp.int32), emb_weight)

# --- scband reference (transcript-rebuilt; emitter-appended) ---
"""Pipeline reference for scband-zincatom-encoder-21122649161807 (READ-ONLY COPY).

The authoritative reference and input builder live on the scoring server;
editing this copy changes nothing except your own understanding.
"""

import jax, jax.numpy as jnp
import numpy as np

N_NODES = 100000
NUM_EMB = 21
HIDDEN = 128

def _xavier_uniform(key, shape):
    fan_in, fan_out = shape[0], shape[1]
    limit = float(np.sqrt(6.0 / (fan_in + fan_out)))
    return jax.random.uniform(key, shape, minval=-limit, maxval=limit, dtype=jnp.float32)

def setup_inputs(seed: int = 0) -> dict:
    key = jax.random.key(seed)
    k_x, k_w = jax.random.split(key)
    x = jax.random.randint(k_x, (N_NODES,), 0, NUM_EMB, dtype=jnp.int64)
    emb_weight = _xavier_uniform(k_w, (NUM_EMB, HIDDEN))
    return {"x": x, "emb_weight": emb_weight}

def reference(x, emb_weight):
    # nn.Embedding lookup: out[i] = emb_weight[x[i]]
    return jnp.take(emb_weight, x, axis=0)

if __name__ == "__main__":
    import jax
    _d = setup_inputs()
    print(jax.jit(kernel)(*tuple(_d.values())))

</pallas_src>

<mosaic_0001>
#map = affine_map<(d0, d1) -> (0)>
#map1 = affine_map<(d0, d1) -> (0, 0)>
module attributes {stable_mosaic.version = 14 : i64} {
  func.func @_emb_lookup(%arg0: i32, %arg1: i32, %arg2: memref<100000xi32, #tpu.memory_space<hbm>>, %arg3: memref<21x128xf32, #tpu.memory_space<hbm>>, %arg4: memref<100000x128xf32, #tpu.memory_space<hbm>>, %arg5: memref<21x128xf32, #tpu.memory_space<vmem_shared>>, %arg6: memref<3128xi32, #tpu.memory_space<vmem>>, %arg7: memref<4x128x128xf32, #tpu.memory_space<vmem>>, %arg8: memref<56x128xf32, #tpu.memory_space<vmem>>, %arg9: memref<4x!tpu.dma_semaphore, #tpu.memory_space<semaphore_mem>>, %arg10: memref<4x!tpu.dma_semaphore, #tpu.memory_space<semaphore_mem>>, %arg11: memref<!tpu.dma_semaphore, #tpu.memory_space<semaphore_mem>>) attributes {dimension_semantics = [#tpu.dimension_semantics<core_parallel>, #tpu.dimension_semantics<subcore_parallel>], iteration_bounds = array<i64: 2, 16>, scalar_prefetch = 0 : i64, scratch_operands = 7 : i64, tpu.core_type = #tpu.core_type<sc_vector_subcore>, window_params = [{transform_indices = #map}, {transform_indices = #map1}, {transform_indices = #map1}]} {
    %mul3A = arith.constant 2 : i32
    %mul3A_0 = arith.muli %arg1, %mul3A : i32
    %add3A = arith.addi %mul3A_0, %arg0 : i32
    %mul3A_1 = arith.constant 3128 : i32
    %mul3A_2 = arith.muli %add3A, %mul3A_1 : i32
    %min3A = arith.constant 96872 : i32
    %min3A_3 = arith.minsi %mul3A_2, %min3A : i32
    %dma_start3A = arith.constant 0 : i32
    %dma_start3A_4 = tpu.memref_slice %arg2[%min3A_3] : memref<100000xi32, #tpu.memory_space<hbm>> -> memref<3128xi32, #tpu.memory_space<hbm>>
    %dma_start3A_5 = tpu.memref_slice %arg9[%dma_start3A] : memref<4x!tpu.dma_semaphore, #tpu.memory_space<semaphore_mem>> -> memref<1x!tpu.dma_semaphore, #tpu.memory_space<semaphore_mem>>
    %dma_start3A_6 = tpu.memref_squeeze %dma_start3A_5 : memref<1x!tpu.dma_semaphore, #tpu.memory_space<semaphore_mem>> -> memref<!tpu.dma_semaphore, #tpu.memory_space<semaphore_mem>>
    %dma_start3A_7 = tpu.memref_slice %arg2[%min3A_3] : memref<100000xi32, #tpu.memory_space<hbm>> -> memref<3128xi32, #tpu.memory_space<hbm>>
    tpu.enqueue_dma source(%dma_start3A_7 : memref<3128xi32, #tpu.memory_space<hbm>>) target(%arg6 : memref<3128xi32, #tpu.memory_space<vmem>>) target_semaphore(%dma_start3A_6 : memref<!tpu.dma_semaphore, #tpu.memory_space<semaphore_mem>>)
    %eq3A = arith.constant 0 : i32
    %eq3A_8 = arith.cmpi eq, %arg1, %eq3A : i32
    %convert_element_type3A = arith.extui %eq3A_8 : i1 to i32
    %cond3A = arith.constant 0 : i32
    %cond3A_9 = arith.cmpi ne, %convert_element_type3A, %cond3A : i32
    scf.if %cond3A_9 {
      tpu.enqueue_dma source(%arg3 : memref<21x128xf32, #tpu.memory_space<hbm>>) target(%arg5 : memref<21x128xf32, #tpu.memory_space<vmem_shared>>) target_semaphore(%arg11 : memref<!tpu.dma_semaphore, #tpu.memory_space<semaphore_mem>>)
      tpu.wait_dma2 semaphore(%arg11 : memref<!tpu.dma_semaphore, #tpu.memory_space<semaphore_mem>>) src(%arg3 : memref<21x128xf32, #tpu.memory_space<hbm>>) dst(%arg5 : memref<21x128xf32, #tpu.memory_space<vmem_shared>>)
    } else {
    }
    %dma_wait3A = arith.constant 0 : i32
    %dma_wait3A_10 = tpu.memref_slice %arg2[%min3A_3] : memref<100000xi32, #tpu.memory_space<hbm>> -> memref<3128xi32, #tpu.memory_space<hbm>>
    %dma_wait3A_11 = tpu.memref_slice %arg9[%dma_wait3A] : memref<4x!tpu.dma_semaphore, #tpu.memory_space<semaphore_mem>> -> memref<1x!tpu.dma_semaphore, #tpu.memory_space<semaphore_mem>>
    %dma_wait3A_12 = tpu.memref_squeeze %dma_wait3A_11 : memref<1x!tpu.dma_semaphore, #tpu.memory_space<semaphore_mem>> -> memref<!tpu.dma_semaphore, #tpu.memory_space<semaphore_mem>>
    %dma_wait3A_13 = tpu.memref_slice %arg2[%min3A_3] : memref<100000xi32, #tpu.memory_space<hbm>> -> memref<3128xi32, #tpu.memory_space<hbm>>
    tpu.wait_dma2 semaphore(%dma_wait3A_12 : memref<!tpu.dma_semaphore, #tpu.memory_space<semaphore_mem>>) src(%dma_wait3A_13 : memref<3128xi32, #tpu.memory_space<hbm>>) dst(%arg6 : memref<3128xi32, #tpu.memory_space<vmem>>)
    %barrier3A = arith.constant 0 : index
    tpu.barrier barrier_id(%barrier3A)
    %dma_start3A_14 = arith.constant 3072 : i32
    %dma_start3A_15 = tpu.memref_slice %arg6[%dma_start3A_14] : memref<3128xi32, #tpu.memory_space<vmem>> -> memref<56xi32, #tpu.memory_space<vmem>>
    %dma_start3A_16 = arith.constant 0 : i32
    %dma_start3A_17 = arith.constant 0 : i32
    %dma_start3A_18 = tpu.memref_slice %arg5[%dma_start3A_16, %dma_start3A_17] : memref<21x128xf32, #tpu.memory_space<vmem_shared>> -> memref<21x128xf32, #tpu.memory_space<vmem_shared>>
    tpu.enqueue_indirect_dma source(%dma_start3A_18 : memref<21x128xf32, #tpu.memory_space<vmem_shared>>) target(%arg8 : memref<56x128xf32, #tpu.memory_space<vmem>>) offsets(%dma_start3A_15 : memref<56xi32, #tpu.memory_space<vmem>>) semaphore(%arg11 : memref<!tpu.dma_semaphore, #tpu.memory_space<semaphore_mem>>)
    %multiple_of3A = arith.constant 0 : i32
    %multiple_of3A_19 = tpu.assume_multiple %multiple_of3A, 128 : i32
    %dma_start3A_20 = arith.constant 0 : i32
    %dma_start3A_21 = arith.constant 0 : i32
    %dma_start3A_22 = arith.constant 0 : i32
    %dma_start3A_23 = arith.constant 0 : i32
    %dma_start3A_24 = tpu.memref_slice %arg7[%dma_start3A_20, %dma_start3A_22, %dma_start3A_23] : memref<4x128x128xf32, #tpu.memory_space<vmem>> -> memref<1x128x128xf32, #tpu.memory_space<vmem>>
    %dma_start3A_25 = tpu.memref_squeeze %dma_start3A_24 : memref<1x128x128xf32, #tpu.memory_space<vmem>> -> memref<128x128xf32, #tpu.memory_space<vmem>>
    %dma_start3A_26 = tpu.memref_slice %arg6[%multiple_of3A_19] : memref<3128xi32, #tpu.memory_space<vmem>> -> memref<128xi32, #tpu.memory_space<vmem>>
    %dma_start3A_27 = arith.constant 0 : i32
    %dma_start3A_28 = arith.constant 0 : i32
    %dma_start3A_29 = tpu.memref_slice %arg5[%dma_start3A_27, %dma_start3A_28] : memref<21x128xf32, #tpu.memory_space<vmem_shared>> -> memref<21x128xf32, #tpu.memory_space<vmem_shared>>
    %dma_start3A_30 = tpu.memref_slice %arg9[%dma_start3A_21] : memref<4x!tpu.dma_semaphore, #tpu.memory_space<semaphore_mem>> -> memref<1x!tpu.dma_semaphore, #tpu.memory_space<semaphore_mem>>
    %dma_start3A_31 = tpu.memref_squeeze %dma_start3A_30 : memref<1x!tpu.dma_semaphore, #tpu.memory_space<semaphore_mem>> -> memref<!tpu.dma_semaphore, #tpu.memory_space<semaphore_mem>>
    tpu.enqueue_indirect_dma source(%dma_start3A_29 : memref<21x128xf32, #tpu.memory_space<vmem_shared>>) target(%dma_start3A_25 : memref<128x128xf32, #tpu.memory_space<vmem>>) offsets(%dma_start3A_26 : memref<128xi32, #tpu.memory_space<vmem>>) semaphore(%dma_start3A_31 : memref<!tpu.dma_semaphore, #tpu.memory_space<semaphore_mem>>)
    %multiple_of3A_32 = arith.constant 128 : i32
    %multiple_of3A_33 = tpu.assume_multiple %multiple_of3A_32, 128 : i32
    %dma_start3A_34 = arith.constant 1 : i32
    %dma_start3A_35 = arith.constant 1 : i32
    %dma_start3A_36 = arith.constant 0 : i32
    %dma_start3A_37 = arith.constant 0 : i32
    %dma_start3A_38 = tpu.memref_slice %arg7[%dma_start3A_34, %dma_start3A_36, %dma_start3A_37] : memref<4x128x128xf32, #tpu.memory_space<vmem>> -> memref<1x128x128xf32, #tpu.memory_space<vmem>>
    %dma_start3A_39 = tpu.memref_squeeze %dma_start3A_38 : memref<1x128x128xf32, #tpu.memory_space<vmem>> -> memref<128x128xf32, #tpu.memory_space<vmem>>
    %dma_start3A_40 = tpu.memref_slice %arg6[%multiple_of3A_33] : memref<3128xi32, #tpu.memory_space<vmem>> -> memref<128xi32, #tpu.memory_space<vmem>>
    %dma_start3A_41 = arith.constant 0 : i32
    %dma_start3A_42 = arith.constant 0 : i32
    %dma_start3A_43 = tpu.memref_slice %arg5[%dma_start3A_41, %dma_start3A_42] : memref<21x128xf32, #tpu.memory_space<vmem_shared>> -> memref<21x128xf32, #tpu.memory_space<vmem_shared>>
    %dma_start3A_44 = tpu.memref_slice %arg9[%dma_start3A_35] : memref<4x!tpu.dma_semaphore, #tpu.memory_space<semaphore_mem>> -> memref<1x!tpu.dma_semaphore, #tpu.memory_space<semaphore_mem>>
    %dma_start3A_45 = tpu.memref_squeeze %dma_start3A_44 : memref<1x!tpu.dma_semaphore, #tpu.memory_space<semaphore_mem>> -> memref<!tpu.dma_semaphore, #tpu.memory_space<semaphore_mem>>
    tpu.enqueue_indirect_dma source(%dma_start3A_43 : memref<21x128xf32, #tpu.memory_space<vmem_shared>>) target(%dma_start3A_39 : memref<128x128xf32, #tpu.memory_space<vmem>>) offsets(%dma_start3A_40 : memref<128xi32, #tpu.memory_space<vmem>>) semaphore(%dma_start3A_45 : memref<!tpu.dma_semaphore, #tpu.memory_space<semaphore_mem>>)
    %multiple_of3A_46 = arith.constant 256 : i32
    %multiple_of3A_47 = tpu.assume_multiple %multiple_of3A_46, 128 : i32
    %dma_start3A_48 = arith.constant 2 : i32
    %dma_start3A_49 = arith.constant 2 : i32
    %dma_start3A_50 = arith.constant 0 : i32
    %dma_start3A_51 = arith.constant 0 : i32
    %dma_start3A_52 = tpu.memref_slice %arg7[%dma_start3A_48, %dma_start3A_50, %dma_start3A_51] : memref<4x128x128xf32, #tpu.memory_space<vmem>> -> memref<1x128x128xf32, #tpu.memory_space<vmem>>
    %dma_start3A_53 = tpu.memref_squeeze %dma_start3A_52 : memref<1x128x128xf32, #tpu.memory_space<vmem>> -> memref<128x128xf32, #tpu.memory_space<vmem>>
    %dma_start3A_54 = tpu.memref_slice %arg6[%multiple_of3A_47] : memref<3128xi32, #tpu.memory_space<vmem>> -> memref<128xi32, #tpu.memory_space<vmem>>
    %dma_start3A_55 = arith.constant 0 : i32
    %dma_start3A_56 = arith.constant 0 : i32
    %dma_start3A_57 = tpu.memref_slice %arg5[%dma_start3A_55, %dma_start3A_56] : memref<21x128xf32, #tpu.memory_space<vmem_shared>> -> memref<21x128xf32, #tpu.memory_space<vmem_shared>>
    %dma_start3A_58 = tpu.memref_slice %arg9[%dma_start3A_49] : memref<4x!tpu.dma_semaphore, #tpu.memory_space<semaphore_mem>> -> memref<1x!tpu.dma_semaphore, #tpu.memory_space<semaphore_mem>>
    %dma_start3A_59 = tpu.memref_squeeze %dma_start3A_58 : memref<1x!tpu.dma_semaphore, #tpu.memory_space<semaphore_mem>> -> memref<!tpu.dma_semaphore, #tpu.memory_space<semaphore_mem>>
    tpu.enqueue_indirect_dma source(%dma_start3A_57 : memref<21x128xf32, #tpu.memory_space<vmem_shared>>) target(%dma_start3A_53 : memref<128x128xf32, #tpu.memory_space<vmem>>) offsets(%dma_start3A_54 : memref<128xi32, #tpu.memory_space<vmem>>) semaphore(%dma_start3A_59 : memref<!tpu.dma_semaphore, #tpu.memory_space<semaphore_mem>>)
    %multiple_of3A_60 = arith.constant 0 : i32
    %multiple_of3A_61 = tpu.assume_multiple %multiple_of3A_60, 128 : i32
    %dma_wait3A_62 = arith.constant 0 : i32
    %dma_wait3A_63 = arith.constant 0 : i32
    %dma_wait3A_64 = arith.constant 0 : i32
    %dma_wait3A_65 = arith.constant 0 : i32
    %dma_wait3A_66 = tpu.memref_slice %arg7[%dma_wait3A_62, %dma_wait3A_64, %dma_wait3A_65] : memref<4x128x128xf32, #tpu.memory_space<vmem>> -> memref<1x128x128xf32, #tpu.memory_space<vmem>>
    %dma_wait3A_67 = tpu.memref_squeeze %dma_wait3A_66 : memref<1x128x128xf32, #tpu.memory_space<vmem>> -> memref<128x128xf32, #tpu.memory_space<vmem>>
    %dma_wait3A_68 = tpu.memref_slice %arg6[%multiple_of3A_61] : memref<3128xi32, #tpu.memory_space<vmem>> -> memref<128xi32, #tpu.memory_space<vmem>>
    %dma_wait3A_69 = arith.constant 0 : i32
    %dma_wait3A_70 = arith.constant 0 : i32
    %dma_wait3A_71 = tpu.memref_slice %arg5[%dma_wait3A_69, %dma_wait3A_70] : memref<21x128xf32, #tpu.memory_space<vmem_shared>> -> memref<21x128xf32, #tpu.memory_space<vmem_shared>>
    %dma_wait3A_72 = tpu.memref_slice %arg9[%dma_wait3A_63] : memref<4x!tpu.dma_semaphore, #tpu.memory_space<semaphore_mem>> -> memref<1x!tpu.dma_semaphore, #tpu.memory_space<semaphore_mem>>
    %dma_wait3A_73 = tpu.memref_squeeze %dma_wait3A_72 : memref<1x!tpu.dma_semaphore, #tpu.memory_space<semaphore_mem>> -> memref<!tpu.dma_semaphore, #tpu.memory_space<semaphore_mem>>
    tpu.wait_indirect_dma semaphore(%dma_wait3A_73 : memref<!tpu.dma_semaphore, #tpu.memory_space<semaphore_mem>>) src(%dma_wait3A_71 : memref<21x128xf32, #tpu.memory_space<vmem_shared>>) dst(%dma_wait3A_67 : memref<128x128xf32, #tpu.memory_space<vmem>>)
    %multiple_of3A_74 = arith.constant 0 : i32
    %multiple_of3A_75 = tpu.assume_multiple %multiple_of3A_74, 128 : i32
    %add3A_76 = arith.addi %min3A_3, %multiple_of3A_75 : i32
    %dma_start3A_77 = arith.constant 0 : i32
    %dma_start3A_78 = arith.constant 0 : i32
    %dma_start3A_79 = arith.constant 0 : i32
    %dma_start3A_80 = arith.constant 0 : i32
    %dma_start3A_81 = tpu.memref_slice %arg7[%dma_start3A_77, %dma_start3A_79, %dma_start3A_80] : memref<4x128x128xf32, #tpu.memory_space<vmem>> -> memref<1x128x128xf32, #tpu.memory_space<vmem>>
    %dma_start3A_82 = tpu.memref_squeeze %dma_start3A_81 : memref<1x128x128xf32, #tpu.memory_space<vmem>> -> memref<128x128xf32, #tpu.memory_space<vmem>>
    %dma_start3A_83 = arith.constant 0 : i32
    %dma_start3A_84 = tpu.memref_slice %arg4[%add3A_76, %dma_start3A_83] : memref<100000x128xf32, #tpu.memory_space<hbm>> -> memref<128x128xf32, #tpu.memory_space<hbm>>
    %dma_start3A_85 = tpu.memref_slice %arg10[%dma_start3A_78] : memref<4x!tpu.dma_semaphore, #tpu.memory_space<semaphore_mem>> -> memref<1x!tpu.dma_semaphore, #tpu.memory_space<semaphore_mem>>
    %dma_start3A_86 = tpu.memref_squeeze %dma_start3A_85 : memref<1x!tpu.dma_semaphore, #tpu.memory_space<semaphore_mem>> -> memref<!tpu.dma_semaphore, #tpu.memory_space<semaphore_mem>>
    %dma_start3A_87 = arith.constant 0 : i32
    %dma_start3A_88 = tpu.memref_slice %arg4[%add3A_76, %dma_start3A_87] : memref<100000x128xf32, #tpu.memory_space<hbm>> -> memref<128x128xf32, #tpu.memory_space<hbm>>
    %dma_start3A_89 = arith.constant 0 : i32
    %dma_start3A_90 = arith.constant 0 : i32
    %dma_start3A_91 = tpu.memref_slice %arg7[%dma_start3A_77, %dma_start3A_89, %dma_start3A_90] : memref<4x128x128xf32, #tpu.memory_space<vmem>> -> memref<1x128x128xf32, #tpu.memory_space<vmem>>
    %dma_start3A_92 = tpu.memref_squeeze %dma_start3A_91 : memref<1x128x128xf32, #tpu.memory_space<vmem>> -> memref<128x128xf32, #tpu.memory_space<vmem>>
    tpu.enqueue_dma source(%dma_start3A_92 : memref<128x128xf32, #tpu.memory_space<vmem>>) target(%dma_start3A_88 : memref<128x128xf32, #tpu.memory_space<hbm>>) target_semaphore(%dma_start3A_86 : memref<!tpu.dma_semaphore, #tpu.memory_space<semaphore_mem>>)
    %multiple_of3A_93 = arith.constant 384 : i32
    %multiple_of3A_94 = tpu.assume_multiple %multiple_of3A_93, 128 : i32
    %dma_start3A_95 = arith.constant 3 : i32
    %dma_start3A_96 = arith.constant 3 : i32
    %dma_start3A_97 = arith.constant 0 : i32
    %dma_start3A_98 = arith.constant 0 : i32
    %dma_start3A_99 = tpu.memref_slice %arg7[%dma_start3A_95, %dma_start3A_97, %dma_start3A_98] : memref<4x128x128xf32, #tpu.memory_space<vmem>> -> memref<1x128x128xf32, #tpu.memory_space<vmem>>
    %dma_start3A_100 = tpu.memref_squeeze %dma_start3A_99 : memref<1x128x128xf32, #tpu.memory_space<vmem>> -> memref<128x128xf32, #tpu.memory_space<vmem>>
    %dma_start3A_101 = tpu.memref_slice %arg6[%multiple_of3A_94] : memref<3128xi32, #tpu.memory_space<vmem>> -> memref<128xi32, #tpu.memory_space<vmem>>
    %dma_start3A_102 = arith.constant 0 : i32
    %dma_start3A_103 = arith.constant 0 : i32
    %dma_start3A_104 = tpu.memref_slice %arg5[%dma_start3A_102, %dma_start3A_103] : memref<21x128xf32, #tpu.memory_space<vmem_shared>> -> memref<21x128xf32, #tpu.memory_space<vmem_shared>>
    %dma_start3A_105 = tpu.memref_slice %arg9[%dma_start3A_96] : memref<4x!tpu.dma_semaphore, #tpu.memory_space<semaphore_mem>> -> memref<1x!tpu.dma_semaphore, #tpu.memory_space<semaphore_mem>>
    %dma_start3A_106 = tpu.memref_squeeze %dma_start3A_105 : memref<1x!tpu.dma_semaphore, #tpu.memory_space<semaphore_mem>> -> memref<!tpu.dma_semaphore, #tpu.memory_space<semaphore_mem>>
    tpu.enqueue_indirect_dma source(%dma_start3A_104 : memref<21x128xf32, #tpu.memory_space<vmem_shared>>) target(%dma_start3A_100 : memref<128x128xf32, #tpu.memory_space<vmem>>) offsets(%dma_start3A_101 : memref<128xi32, #tpu.memory_space<vmem>>) semaphore(%dma_start3A_106 : memref<!tpu.dma_semaphore, #tpu.memory_space<semaphore_mem>>)
    %multiple_of3A_107 = arith.constant 128 : i32
    %multiple_of3A_108 = tpu.assume_multiple %multiple_of3A_107, 128 : i32
    %dma_wait3A_109 = arith.constant 1 : i32
    %dma_wait3A_110 = arith.constant 1 : i32
    %dma_wait3A_111 = arith.constant 0 : i32
    %dma_wait3A_112 = arith.constant 0 : i32
    %dma_wait3A_113 = tpu.memref_slice %arg7[%dma_wait3A_109, %dma_wait3A_111, %dma_wait3A_112] : memref<4x128x128xf32, #tpu.memory_space<vmem>> -> memref<1x128x128xf32, #tpu.memory_space<vmem>>
    %dma_wait3A_114 = tpu.memref_squeeze %dma_wait3A_113 : memref<1x128x128xf32, #tpu.memory_space<vmem>> -> memref<128x128xf32, #tpu.memory_space<vmem>>
    %dma_wait3A_115 = tpu.memref_slice %arg6[%multiple_of3A_108] : memref<3128xi32, #tpu.memory_space<vmem>> -> memref<128xi32, #tpu.memory_space<vmem>>
    %dma_wait3A_116 = arith.constant 0 : i32
    %dma_wait3A_117 = arith.constant 0 : i32
    %dma_wait3A_118 = tpu.memref_slice %arg5[%dma_wait3A_116, %dma_wait3A_117] : memref<21x128xf32, #tpu.memory_space<vmem_shared>> -> memref<21x128xf32, #tpu.memory_space<vmem_shared>>
    %dma_wait3A_119 = tpu.memref_slice %arg9[%dma_wait3A_110] : memref<4x!tpu.dma_semaphore, #tpu.memory_space<semaphore_mem>> -> memref<1x!tpu.dma_semaphore, #tpu.memory_space<semaphore_mem>>
    %dma_wait3A_120 = tpu.memref_squeeze %dma_wait3A_119 : memref<1x!tpu.dma_semaphore, #tpu.memory_space<semaphore_mem>> -> memref<!tpu.dma_semaphore, #tpu.memory_space<semaphore_mem>>
    tpu.wait_indirect_dma semaphore(%dma_wait3A_120 : memref<!tpu.dma_semaphore, #tpu.memory_space<semaphore_mem>>) src(%dma_wait3A_118 : memref<21x128xf32, #tpu.memory_space<vmem_shared>>) dst(%dma_wait3A_114 : memref<128x128xf32, #tpu.memory_space<vmem>>)
    %multiple_of3A_121 = arith.constant 128 : i32
    %multiple_of3A_122 = tpu.assume_multiple %multiple_of3A_121, 128 : i32
    %add3A_123 = arith.addi %min3A_3, %multiple_of3A_122 : i32
    %dma_start3A_124 = arith.constant 1 : i32
    %dma_start3A_125 = arith.constant 1 : i32
    %dma_start3A_126 = arith.constant 0 : i32
    %dma_start3A_127 = arith.constant 0 : i32
    %dma_start3A_128 = tpu.memref_slice %arg7[%dma_start3A_124, %dma_start3A_126, %dma_start3A_127] : memref<4x128x128xf32, #tpu.memory_space<vmem>> -> memref<1x128x128xf32, #tpu.memory_space<vmem>>
    %dma_start3A_129 = tpu.memref_squeeze %dma_start3A_128 : memref<1x128x128xf32, #tpu.memory_space<vmem>> -> memref<128x128xf32, #tpu.memory_space<vmem>>
    %dma_start3A_130 = arith.constant 0 : i32
    %dma_start3A_131 = tpu.memref_slice %arg4[%add3A_123, %dma_start3A_130] : memref<100000x128xf32, #tpu.memory_space<hbm>> -> memref<128x128xf32, #tpu.memory_space<hbm>>
    %dma_start3A_132 = tpu.memref_slice %arg10[%dma_start3A_125] : memref<4x!tpu.dma_semaphore, #tpu.memory_space<semaphore_mem>> -> memref<1x!tpu.dma_semaphore, #tpu.memory_space<semaphore_mem>>
    %dma_start3A_133 = tpu.memref_squeeze %dma_start3A_132 : memref<1x!tpu.dma_semaphore, #tpu.memory_space<semaphore_mem>> -> memref<!tpu.dma_semaphore, #tpu.memory_space<semaphore_mem>>
    %dma_start3A_134 = arith.constant 0 : i32
    %dma_start3A_135 = tpu.memref_slice %arg4[%add3A_123, %dma_start3A_134] : memref<100000x128xf32, #tpu.memory_space<hbm>> -> memref<128x128xf32, #tpu.memory_space<hbm>>
    %dma_start3A_136 = arith.constant 0 : i32
    %dma_start3A_137 = arith.constant 0 : i32
    %dma_start3A_138 = tpu.memref_slice %arg7[%dma_start3A_124, %dma_start3A_136, %dma_start3A_137] : memref<4x128x128xf32, #tpu.memory_space<vmem>> -> memref<1x128x128xf32, #tpu.memory_space<vmem>>
    %dma_start3A_139 = tpu.memref_squeeze %dma_start3A_138 : memref<1x128x128xf32, #tpu.memory_space<vmem>> -> memref<128x128xf32, #tpu.memory_space<vmem>>
    tpu.enqueue_dma source(%dma_start3A_139 : memref<128x128xf32, #tpu.memory_space<vmem>>) target(%dma_start3A_135 : memref<128x128xf32, #tpu.memory_space<hbm>>) target_semaphore(%dma_start3A_133 : memref<!tpu.dma_semaphore, #tpu.memory_space<semaphore_mem>>)
    %scan3A = arith.constant 0 : i32
    %scan3A_140 = arith.constant 4 : i32
    %scan3A_141 = arith.constant 20 : i32
    %scan3A_142 = arith.addi %scan3A_140, %scan3A_141 : i32
    %scan3A_143 = arith.constant 1 : i32
    scf.for %scan3A_302 = %scan3A_140 to %scan3A_142 step %scan3A_143  : i32 {
      %rem3A = arith.constant 4 : i32
      %rem3A_303 = arith.remsi %scan3A_302, %rem3A : i32
      %add3A_304 = arith.constant 2 : i32
      %add3A_305 = arith.addi %scan3A_302, %add3A_304 : i32
      %rem3A_306 = arith.constant 4 : i32
      %rem3A_307 = arith.remsi %add3A_305, %rem3A_306 : i32
      %sub3A = arith.constant 4 : i32
      %sub3A_308 = arith.subi %scan3A_302, %sub3A : i32
      %mul3A_309 = arith.constant 128 : i32
      %mul3A_310 = arith.muli %sub3A_308, %mul3A_309 : i32
      %multiple_of3A_311 = tpu.assume_multiple %mul3A_310, 128 : i32
      %add3A_312 = arith.addi %min3A_3, %multiple_of3A_311 : i32
      %dma_wait3A_313 = arith.constant 0 : i32
      %dma_wait3A_314 = arith.constant 0 : i32
      %dma_wait3A_315 = tpu.memref_slice %arg7[%rem3A_303, %dma_wait3A_313, %dma_wait3A_314] : memref<4x128x128xf32, #tpu.memory_space<vmem>> -> memref<1x128x128xf32, #tpu.memory_space<vmem>>
      %dma_wait3A_316 = tpu.memref_squeeze %dma_wait3A_315 : memref<1x128x128xf32, #tpu.memory_space<vmem>> -> memref<128x128xf32, #tpu.memory_space<vmem>>
      %dma_wait3A_317 = arith.constant 0 : i32
      %dma_wait3A_318 = tpu.memref_slice %arg4[%add3A_312, %dma_wait3A_317] : memref<100000x128xf32, #tpu.memory_space<hbm>> -> memref<128x128xf32, #tpu.memory_space<hbm>>
      %dma_wait3A_319 = tpu.memref_slice %arg10[%rem3A_303] : memref<4x!tpu.dma_semaphore, #tpu.memory_space<semaphore_mem>> -> memref<1x!tpu.dma_semaphore, #tpu.memory_space<semaphore_mem>>
      %dma_wait3A_320 = tpu.memref_squeeze %dma_wait3A_319 : memref<1x!tpu.dma_semaphore, #tpu.memory_space<semaphore_mem>> -> memref<!tpu.dma_semaphore, #tpu.memory_space<semaphore_mem>>
      %dma_wait3A_321 = arith.constant 0 : i32
      %dma_wait3A_322 = tpu.memref_slice %arg4[%add3A_312, %dma_wait3A_321] : memref<100000x128xf32, #tpu.memory_space<hbm>> -> memref<128x128xf32, #tpu.memory_space<hbm>>
      %dma_wait3A_323 = arith.constant 0 : i32
      %dma_wait3A_324 = arith.constant 0 : i32
      %dma_wait3A_325 = tpu.memref_slice %arg7[%rem3A_303, %dma_wait3A_323, %dma_wait3A_324] : memref<4x128x128xf32, #tpu.memory_space<vmem>> -> memref<1x128x128xf32, #tpu.memory_space<vmem>>
      %dma_wait3A_326 = tpu.memref_squeeze %dma_wait3A_325 : memref<1x128x128xf32, #tpu.memory_space<vmem>> -> memref<128x128xf32, #tpu.memory_space<vmem>>
      tpu.wait_dma2 semaphore(%dma_wait3A_320 : memref<!tpu.dma_semaphore, #tpu.memory_space<semaphore_mem>>) src(%dma_wait3A_326 : memref<128x128xf32, #tpu.memory_space<vmem>>) dst(%dma_wait3A_322 : memref<128x128xf32, #tpu.memory_space<hbm>>)
      %mul3A_327 = arith.constant 128 : i32
      %mul3A_328 = arith.muli %scan3A_302, %mul3A_327 : i32
      %multiple_of3A_329 = tpu.assume_multiple %mul3A_328, 128 : i32
      %dma_start3A_330 = arith.constant 0 : i32
      %dma_start3A_331 = arith.constant 0 : i32
      %dma_start3A_332 = tpu.memref_slice %arg7[%rem3A_303, %dma_start3A_330, %dma_start3A_331] : memref<4x128x128xf32, #tpu.memory_space<vmem>> -> memref<1x128x128xf32, #tpu.memory_space<vmem>>
      %dma_start3A_333 = tpu.memref_squeeze %dma_start3A_332 : memref<1x128x128xf32, #tpu.memory_space<vmem>> -> memref<128x128xf32, #tpu.memory_space<vmem>>
      %dma_start3A_334 = tpu.memref_slice %arg6[%multiple_of3A_329] : memref<3128xi32, #tpu.memory_space<vmem>> -> memref<128xi32, #tpu.memory_space<vmem>>
      %dma_start3A_335 = arith.constant 0 : i32
      %dma_start3A_336 = arith.constant 0 : i32
      %dma_start3A_337 = tpu.memref_slice %arg5[%dma_start3A_335, %dma_start3A_336] : memref<21x128xf32, #tpu.memory_space<vmem_shared>> -> memref<21x128xf32, #tpu.memory_space<vmem_shared>>
      %dma_start3A_338 = tpu.memref_slice %arg9[%rem3A_303] : memref<4x!tpu.dma_semaphore, #tpu.memory_space<semaphore_mem>> -> memref<1x!tpu.dma_semaphore, #tpu.memory_space<semaphore_mem>>
      %dma_start3A_339 = tpu.memref_squeeze %dma_start3A_338 : memref<1x!tpu.dma_semaphore, #tpu.memory_space<semaphore_mem>> -> memref<!tpu.dma_semaphore, #tpu.memory_space<semaphore_mem>>
      tpu.enqueue_indirect_dma source(%dma_start3A_337 : memref<21x128xf32, #tpu.memory_space<vmem_shared>>) target(%dma_start3A_333 : memref<128x128xf32, #tpu.memory_space<vmem>>) offsets(%dma_start3A_334 : memref<128xi32, #tpu.memory_space<vmem>>) semaphore(%dma_start3A_339 : memref<!tpu.dma_semaphore, #tpu.memory_space<semaphore_mem>>)
      %sub3A_340 = arith.constant 2 : i32
      %sub3A_341 = arith.subi %scan3A_302, %sub3A_340 : i32
      %mul3A_342 = arith.constant 128 : i32
      %mul3A_343 = arith.muli %sub3A_341, %mul3A_342 : i32
      %multiple_of3A_344 = tpu.assume_multiple %mul3A_343, 128 : i32
      %dma_wait3A_345 = arith.constant 0 : i32
      %dma_wait3A_346 = arith.constant 0 : i32
      %dma_wait3A_347 = tpu.memref_slice %arg7[%rem3A_307, %dma_wait3A_345, %dma_wait3A_346] : memref<4x128x128xf32, #tpu.memory_space<vmem>> -> memref<1x128x128xf32, #tpu.memory_space<vmem>>
      %dma_wait3A_348 = tpu.memref_squeeze %dma_wait3A_347 : memref<1x128x128xf32, #tpu.memory_space<vmem>> -> memref<128x128xf32, #tpu.memory_space<vmem>>
      %dma_wait3A_349 = tpu.memref_slice %arg6[%multiple_of3A_344] : memref<3128xi32, #tpu.memory_space<vmem>> -> memref<128xi32, #tpu.memory_space<vmem>>
      %dma_wait3A_350 = arith.constant 0 : i32
      %dma_wait3A_351 = arith.constant 0 : i32
      %dma_wait3A_352 = tpu.memref_slice %arg5[%dma_wait3A_350, %dma_wait3A_351] : memref<21x128xf32, #tpu.memory_space<vmem_shared>> -> memref<21x128xf32, #tpu.memory_space<vmem_shared>>
      %dma_wait3A_353 = tpu.memref_slice %arg9[%rem3A_307] : memref<4x!tpu.dma_semaphore, #tpu.memory_space<semaphore_mem>> -> memref<1x!tpu.dma_semaphore, #tpu.memory_space<semaphore_mem>>
      %dma_wait3A_354 = tpu.memref_squeeze %dma_wait3A_353 : memref<1x!tpu.dma_semaphore, #tpu.memory_space<semaphore_mem>> -> memref<!tpu.dma_semaphore, #tpu.memory_space<semaphore_mem>>
      tpu.wait_indirect_dma semaphore(%dma_wait3A_354 : memref<!tpu.dma_semaphore, #tpu.memory_space<semaphore_mem>>) src(%dma_wait3A_352 : memref<21x128xf32, #tpu.memory_space<vmem_shared>>) dst(%dma_wait3A_348 : memref<128x128xf32, #tpu.memory_space<vmem>>)
      %sub3A_355 = arith.constant 2 : i32
      %sub3A_356 = arith.subi %scan3A_302, %sub3A_355 : i32
      %mul3A_357 = arith.constant 128 : i32
      %mul3A_358 = arith.muli %sub3A_356, %mul3A_357 : i32
      %multiple_of3A_359 = tpu.assume_multiple %mul3A_358, 128 : i32
      %add3A_360 = arith.addi %min3A_3, %multiple_of3A_359 : i32
      %dma_start3A_361 = arith.constant 0 : i32
      %dma_start3A_362 = arith.constant 0 : i32
      %dma_start3A_363 = tpu.memref_slice %arg7[%rem3A_307, %dma_start3A_361, %dma_start3A_362] : memref<4x128x128xf32, #tpu.memory_space<vmem>> -> memref<1x128x128xf32, #tpu.memory_space<vmem>>
      %dma_start3A_364 = tpu.memref_squeeze %dma_start3A_363 : memref<1x128x128xf32, #tpu.memory_space<vmem>> -> memref<128x128xf32, #tpu.memory_space<vmem>>
      %dma_start3A_365 = arith.constant 0 : i32
      %dma_start3A_366 = tpu.memref_slice %arg4[%add3A_360, %dma_start3A_365] : memref<100000x128xf32, #tpu.memory_space<hbm>> -> memref<128x128xf32, #tpu.memory_space<hbm>>
      %dma_start3A_367 = tpu.memref_slice %arg10[%rem3A_307] : memref<4x!tpu.dma_semaphore, #tpu.memory_space<semaphore_mem>> -> memref<1x!tpu.dma_semaphore, #tpu.memory_space<semaphore_mem>>
      %dma_start3A_368 = tpu.memref_squeeze %dma_start3A_367 : memref<1x!tpu.dma_semaphore, #tpu.memory_space<semaphore_mem>> -> memref<!tpu.dma_semaphore, #tpu.memory_space<semaphore_mem>>
      %dma_start3A_369 = arith.constant 0 : i32
      %dma_start3A_370 = tpu.memref_slice %arg4[%add3A_360, %dma_start3A_369] : memref<100000x128xf32, #tpu.memory_space<hbm>> -> memref<128x128xf32, #tpu.memory_space<hbm>>
      %dma_start3A_371 = arith.constant 0 : i32
      %dma_start3A_372 = arith.constant 0 : i32
      %dma_start3A_373 = tpu.memref_slice %arg7[%rem3A_307, %dma_start3A_371, %dma_start3A_372] : memref<4x128x128xf32, #tpu.memory_space<vmem>> -> memref<1x128x128xf32, #tpu.memory_space<vmem>>
      %dma_start3A_374 = tpu.memref_squeeze %dma_start3A_373 : memref<1x128x128xf32, #tpu.memory_space<vmem>> -> memref<128x128xf32, #tpu.memory_space<vmem>>
      tpu.enqueue_dma source(%dma_start3A_374 : memref<128x128xf32, #tpu.memory_space<vmem>>) target(%dma_start3A_370 : memref<128x128xf32, #tpu.memory_space<hbm>>) target_semaphore(%dma_start3A_368 : memref<!tpu.dma_semaphore, #tpu.memory_space<semaphore_mem>>)
    }
    %scan3A_144 = arith.constant 20 : i32
    %dma_wait3A_145 = arith.constant 3072 : i32
    %dma_wait3A_146 = tpu.memref_slice %arg6[%dma_wait3A_145] : memref<3128xi32, #tpu.memory_space<vmem>> -> memref<56xi32, #tpu.memory_space<vmem>>
    %dma_wait3A_147 = arith.constant 0 : i32
    %dma_wait3A_148 = arith.constant 0 : i32
    %dma_wait3A_149 = tpu.memref_slice %arg5[%dma_wait3A_147, %dma_wait3A_148] : memref<21x128xf32, #tpu.memory_space<vmem_shared>> -> memref<21x128xf32, #tpu.memory_space<vmem_shared>>
    tpu.wait_indirect_dma semaphore(%arg11 : memref<!tpu.dma_semaphore, #tpu.memory_space<semaphore_mem>>) src(%dma_wait3A_149 : memref<21x128xf32, #tpu.memory_space<vmem_shared>>) dst(%arg8 : memref<56x128xf32, #tpu.memory_space<vmem>>)
    %add3A_150 = arith.constant 3072 : i32
    %add3A_151 = arith.addi %min3A_3, %add3A_150 : i32
    %dma_start3A_152 = arith.constant 0 : i32
    %dma_start3A_153 = tpu.memref_slice %arg4[%add3A_151, %dma_start3A_152] : memref<100000x128xf32, #tpu.memory_space<hbm>> -> memref<56x128xf32, #tpu.memory_space<hbm>>
    %dma_start3A_154 = arith.constant 0 : i32
    %dma_start3A_155 = tpu.memref_slice %arg4[%add3A_151, %dma_start3A_154] : memref<100000x128xf32, #tpu.memory_space<hbm>> -> memref<56x128xf32, #tpu.memory_space<hbm>>
    tpu.enqueue_dma source(%arg8 : memref<56x128xf32, #tpu.memory_space<vmem>>) target(%dma_start3A_155 : memref<56x128xf32, #tpu.memory_space<hbm>>) target_semaphore(%arg11 : memref<!tpu.dma_semaphore, #tpu.memory_space<semaphore_mem>>)
    %multiple_of3A_156 = arith.constant 2816 : i32
    %multiple_of3A_157 = tpu.assume_multiple %multiple_of3A_156, 128 : i32
    %dma_wait3A_158 = arith.constant 2 : i32
    %dma_wait3A_159 = arith.constant 2 : i32
    %dma_wait3A_160 = arith.constant 0 : i32
    %dma_wait3A_161 = arith.constant 0 : i32
    %dma_wait3A_162 = tpu.memref_slice %arg7[%dma_wait3A_158, %dma_wait3A_160, %dma_wait3A_161] : memref<4x128x128xf32, #tpu.memory_space<vmem>> -> memref<1x128x128xf32, #tpu.memory_space<vmem>>
    %dma_wait3A_163 = tpu.memref_squeeze %dma_wait3A_162 : memref<1x128x128xf32, #tpu.memory_space<vmem>> -> memref<128x128xf32, #tpu.memory_space<vmem>>
    %dma_wait3A_164 = tpu.memref_slice %arg6[%multiple_of3A_157] : memref<3128xi32, #tpu.memory_space<vmem>> -> memref<128xi32, #tpu.memory_space<vmem>>
    %dma_wait3A_165 = arith.constant 0 : i32
    %dma_wait3A_166 = arith.constant 0 : i32
    %dma_wait3A_167 = tpu.memref_slice %arg5[%dma_wait3A_165, %dma_wait3A_166] : memref<21x128xf32, #tpu.memory_space<vmem_shared>> -> memref<21x128xf32, #tpu.memory_space<vmem_shared>>
    %dma_wait3A_168 = tpu.memref_slice %arg9[%dma_wait3A_159] : memref<4x!tpu.dma_semaphore, #tpu.memory_space<semaphore_mem>> -> memref<1x!tpu.dma_semaphore, #tpu.memory_space<semaphore_mem>>
    %dma_wait3A_169 = tpu.memref_squeeze %dma_wait3A_168 : memref<1x!tpu.dma_semaphore, #tpu.memory_space<semaphore_mem>> -> memref<!tpu.dma_semaphore, #tpu.memory_space<semaphore_mem>>
    tpu.wait_indirect_dma semaphore(%dma_wait3A_169 : memref<!tpu.dma_semaphore, #tpu.memory_space<semaphore_mem>>) src(%dma_wait3A_167 : memref<21x128xf32, #tpu.memory_space<vmem_shared>>) dst(%dma_wait3A_163 : memref<128x128xf32, #tpu.memory_space<vmem>>)
    %multiple_of3A_170 = arith.constant 2816 : i32
    %multiple_of3A_171 = tpu.assume_multiple %multiple_of3A_170, 128 : i32
    %add3A_172 = arith.addi %min3A_3, %multiple_of3A_171 : i32
    %dma_start3A_173 = arith.constant 2 : i32
    %dma_start3A_174 = arith.constant 2 : i32
    %dma_start3A_175 = arith.constant 0 : i32
    %dma_start3A_176 = arith.constant 0 : i32
    %dma_start3A_177 = tpu.memref_slice %arg7[%dma_start3A_173, %dma_start3A_175, %dma_start3A_176] : memref<4x128x128xf32, #tpu.memory_space<vmem>> -> memref<1x128x128xf32, #tpu.memory_space<vmem>>
    %dma_start3A_178 = tpu.memref_squeeze %dma_start3A_177 : memref<1x128x128xf32, #tpu.memory_space<vmem>> -> memref<128x128xf32, #tpu.memory_space<vmem>>
    %dma_start3A_179 = arith.constant 0 : i32
    %dma_start3A_180 = tpu.memref_slice %arg4[%add3A_172, %dma_start3A_179] : memref<100000x128xf32, #tpu.memory_space<hbm>> -> memref<128x128xf32, #tpu.memory_space<hbm>>
    %dma_start3A_181 = tpu.memref_slice %arg10[%dma_start3A_174] : memref<4x!tpu.dma_semaphore, #tpu.memory_space<semaphore_mem>> -> memref<1x!tpu.dma_semaphore, #tpu.memory_space<semaphore_mem>>
    %dma_start3A_182 = tpu.memref_squeeze %dma_start3A_181 : memref<1x!tpu.dma_semaphore, #tpu.memory_space<semaphore_mem>> -> memref<!tpu.dma_semaphore, #tpu.memory_space<semaphore_mem>>
    %dma_start3A_183 = arith.constant 0 : i32
    %dma_start3A_184 = tpu.memref_slice %arg4[%add3A_172, %dma_start3A_183] : memref<100000x128xf32, #tpu.memory_space<hbm>> -> memref<128x128xf32, #tpu.memory_space<hbm>>
    %dma_start3A_185 = arith.constant 0 : i32
    %dma_start3A_186 = arith.constant 0 : i32
    %dma_start3A_187 = tpu.memref_slice %arg7[%dma_start3A_173, %dma_start3A_185, %dma_start3A_186] : memref<4x128x128xf32, #tpu.memory_space<vmem>> -> memref<1x128x128xf32, #tpu.memory_space<vmem>>
    %dma_start3A_188 = tpu.memref_squeeze %dma_start3A_187 : memref<1x128x128xf32, #tpu.memory_space<vmem>> -> memref<128x128xf32, #tpu.memory_space<vmem>>
    tpu.enqueue_dma source(%dma_start3A_188 : memref<128x128xf32, #tpu.memory_space<vmem>>) target(%dma_start3A_184 : memref<128x128xf32, #tpu.memory_space<hbm>>) target_semaphore(%dma_start3A_182 : memref<!tpu.dma_semaphore, #tpu.memory_space<semaphore_mem>>)
    %multiple_of3A_189 = arith.constant 2944 : i32
    %multiple_of3A_190 = tpu.assume_multiple %multiple_of3A_189, 128 : i32
    %dma_wait3A_191 = arith.constant 3 : i32
    %dma_wait3A_192 = arith.constant 3 : i32
    %dma_wait3A_193 = arith.constant 0 : i32
    %dma_wait3A_194 = arith.constant 0 : i32
    %dma_wait3A_195 = tpu.memref_slice %arg7[%dma_wait3A_191, %dma_wait3A_193, %dma_wait3A_194] : memref<4x128x128xf32, #tpu.memory_space<vmem>> -> memref<1x128x128xf32, #tpu.memory_space<vmem>>
    %dma_wait3A_196 = tpu.memref_squeeze %dma_wait3A_195 : memref<1x128x128xf32, #tpu.memory_space<vmem>> -> memref<128x128xf32, #tpu.memory_space<vmem>>
    %dma_wait3A_197 = tpu.memref_slice %arg6[%multiple_of3A_190] : memref<3128xi32, #tpu.memory_space<vmem>> -> memref<128xi32, #tpu.memory_space<vmem>>
    %dma_wait3A_198 = arith.constant 0 : i32
    %dma_wait3A_199 = arith.constant 0 : i32
    %dma_wait3A_200 = tpu.memref_slice %arg5[%dma_wait3A_198, %dma_wait3A_199] : memref<21x128xf32, #tpu.memory_space<vmem_shared>> -> memref<21x128xf32, #tpu.memory_space<vmem_shared>>
    %dma_wait3A_201 = tpu.memref_slice %arg9[%dma_wait3A_192] : memref<4x!tpu.dma_semaphore, #tpu.memory_space<semaphore_mem>> -> memref<1x!tpu.dma_semaphore, #tpu.memory_space<semaphore_mem>>
    %dma_wait3A_202 = tpu.memref_squeeze %dma_wait3A_201 : memref<1x!tpu.dma_semaphore, #tpu.memory_space<semaphore_mem>> -> memref<!tpu.dma_semaphore, #tpu.memory_space<semaphore_mem>>
    tpu.wait_indirect_dma semaphore(%dma_wait3A_202 : memref<!tpu.dma_semaphore, #tpu.memory_space<semaphore_mem>>) src(%dma_wait3A_200 : memref<21x128xf32, #tpu.memory_space<vmem_shared>>) dst(%dma_wait3A_196 : memref<128x128xf32, #tpu.memory_space<vmem>>)
    %multiple_of3A_203 = arith.constant 2944 : i32
    %multiple_of3A_204 = tpu.assume_multiple %multiple_of3A_203, 128 : i32
    %add3A_205 = arith.addi %min3A_3, %multiple_of3A_204 : i32
    %dma_start3A_206 = arith.constant 3 : i32
    %dma_start3A_207 = arith.constant 3 : i32
    %dma_start3A_208 = arith.constant 0 : i32
    %dma_start3A_209 = arith.constant 0 : i32
    %dma_start3A_210 = tpu.memref_slice %arg7[%dma_start3A_206, %dma_start3A_208, %dma_start3A_209] : memref<4x128x128xf32, #tpu.memory_space<vmem>> -> memref<1x128x128xf32, #tpu.memory_space<vmem>>
    %dma_start3A_211 = tpu.memref_squeeze %dma_start3A_210 : memref<1x128x128xf32, #tpu.memory_space<vmem>> -> memref<128x128xf32, #tpu.memory_space<vmem>>
    %dma_start3A_212 = arith.constant 0 : i32
    %dma_start3A_213 = tpu.memref_slice %arg4[%add3A_205, %dma_start3A_212] : memref<100000x128xf32, #tpu.memory_space<hbm>> -> memref<128x128xf32, #tpu.memory_space<hbm>>
    %dma_start3A_214 = tpu.memref_slice %arg10[%dma_start3A_207] : memref<4x!tpu.dma_semaphore, #tpu.memory_space<semaphore_mem>> -> memref<1x!tpu.dma_semaphore, #tpu.memory_space<semaphore_mem>>
    %dma_start3A_215 = tpu.memref_squeeze %dma_start3A_214 : memref<1x!tpu.dma_semaphore, #tpu.memory_space<semaphore_mem>> -> memref<!tpu.dma_semaphore, #tpu.memory_space<semaphore_mem>>
    %dma_start3A_216 = arith.constant 0 : i32
    %dma_start3A_217 = tpu.memref_slice %arg4[%add3A_205, %dma_start3A_216] : memref<100000x128xf32, #tpu.memory_space<hbm>> -> memref<128x128xf32, #tpu.memory_space<hbm>>
    %dma_start3A_218 = arith.constant 0 : i32
    %dma_start3A_219 = arith.constant 0 : i32
    %dma_start3A_220 = tpu.memref_slice %arg7[%dma_start3A_206, %dma_start3A_218, %dma_start3A_219] : memref<4x128x128xf32, #tpu.memory_space<vmem>> -> memref<1x128x128xf32, #tpu.memory_space<vmem>>
    %dma_start3A_221 = tpu.memref_squeeze %dma_start3A_220 : memref<1x128x128xf32, #tpu.memory_space<vmem>> -> memref<128x128xf32, #tpu.memory_space<vmem>>
    tpu.enqueue_dma source(%dma_start3A_221 : memref<128x128xf32, #tpu.memory_space<vmem>>) target(%dma_start3A_217 : memref<128x128xf32, #tpu.memory_space<hbm>>) target_semaphore(%dma_start3A_215 : memref<!tpu.dma_semaphore, #tpu.memory_space<semaphore_mem>>)
    %multiple_of3A_222 = arith.constant 2560 : i32
    %multiple_of3A_223 = tpu.assume_multiple %multiple_of3A_222, 128 : i32
    %add3A_224 = arith.addi %min3A_3, %multiple_of3A_223 : i32
    %dma_wait3A_225 = arith.constant 0 : i32
    %dma_wait3A_226 = arith.constant 0 : i32
    %dma_wait3A_227 = arith.constant 0 : i32
    %dma_wait3A_228 = arith.constant 0 : i32
    %dma_wait3A_229 = tpu.memref_slice %arg7[%dma_wait3A_225, %dma_wait3A_227, %dma_wait3A_228] : memref<4x128x128xf32, #tpu.memory_space<vmem>> -> memref<1x128x128xf32, #tpu.memory_space<vmem>>
    %dma_wait3A_230 = tpu.memref_squeeze %dma_wait3A_229 : memref<1x128x128xf32, #tpu.memory_space<vmem>> -> memref<128x128xf32, #tpu.memory_space<vmem>>
    %dma_wait3A_231 = arith.constant 0 : i32
    %dma_wait3A_232 = tpu.memref_slice %arg4[%add3A_224, %dma_wait3A_231] : memref<100000x128xf32, #tpu.memory_space<hbm>> -> memref<128x128xf32, #tpu.memory_space<hbm>>
    %dma_wait3A_233 = tpu.memref_slice %arg10[%dma_wait3A_226] : memref<4x!tpu.dma_semaphore, #tpu.memory_space<semaphore_mem>> -> memref<1x!tpu.dma_semaphore, #tpu.memory_space<semaphore_mem>>
    %dma_wait3A_234 = tpu.memref_squeeze %dma_wait3A_233 : memref<1x!tpu.dma_semaphore, #tpu.memory_space<semaphore_mem>> -> memref<!tpu.dma_semaphore, #tpu.memory_space<semaphore_mem>>
    %dma_wait3A_235 = arith.constant 0 : i32
    %dma_wait3A_236 = tpu.memref_slice %arg4[%add3A_224, %dma_wait3A_235] : memref<100000x128xf32, #tpu.memory_space<hbm>> -> memref<128x128xf32, #tpu.memory_space<hbm>>
    %dma_wait3A_237 = arith.constant 0 : i32
    %dma_wait3A_238 = arith.constant 0 : i32
    %dma_wait3A_239 = tpu.memref_slice %arg7[%dma_wait3A_225, %dma_wait3A_237, %dma_wait3A_238] : memref<4x128x128xf32, #tpu.memory_space<vmem>> -> memref<1x128x128xf32, #tpu.memory_space<vmem>>
    %dma_wait3A_240 = tpu.memref_squeeze %dma_wait3A_239 : memref<1x128x128xf32, #tpu.memory_space<vmem>> -> memref<128x128xf32, #tpu.memory_space<vmem>>
    tpu.wait_dma2 semaphore(%dma_wait3A_234 : memref<!tpu.dma_semaphore, #tpu.memory_space<semaphore_mem>>) src(%dma_wait3A_240 : memref<128x128xf32, #tpu.memory_space<vmem>>) dst(%dma_wait3A_236 : memref<128x128xf32, #tpu.memory_space<hbm>>)
    %multiple_of3A_241 = arith.constant 2688 : i32
    %multiple_of3A_242 = tpu.assume_multiple %multiple_of3A_241, 128 : i32
    %add3A_243 = arith.addi %min3A_3, %multiple_of3A_242 : i32
    %dma_wait3A_244 = arith.constant 1 : i32
    %dma_wait3A_245 = arith.constant 1 : i32
    %dma_wait3A_246 = arith.constant 0 : i32
    %dma_wait3A_247 = arith.constant 0 : i32
    %dma_wait3A_248 = tpu.memref_slice %arg7[%dma_wait3A_244, %dma_wait3A_246, %dma_wait3A_247] : memref<4x128x128xf32, #tpu.memory_space<vmem>> -> memref<1x128x128xf32, #tpu.memory_space<vmem>>
    %dma_wait3A_249 = tpu.memref_squeeze %dma_wait3A_248 : memref<1x128x128xf32, #tpu.memory_space<vmem>> -> memref<128x128xf32, #tpu.memory_space<vmem>>
    %dma_wait3A_250 = arith.constant 0 : i32
    %dma_wait3A_251 = tpu.memref_slice %arg4[%add3A_243, %dma_wait3A_250] : memref<100000x128xf32, #tpu.memory_space<hbm>> -> memref<128x128xf32, #tpu.memory_space<hbm>>
    %dma_wait3A_252 = tpu.memref_slice %arg10[%dma_wait3A_245] : memref<4x!tpu.dma_semaphore, #tpu.memory_space<semaphore_mem>> -> memref<1x!tpu.dma_semaphore, #tpu.memory_space<semaphore_mem>>
    %dma_wait3A_253 = tpu.memref_squeeze %dma_wait3A_252 : memref<1x!tpu.dma_semaphore, #tpu.memory_space<semaphore_mem>> -> memref<!tpu.dma_semaphore, #tpu.memory_space<semaphore_mem>>
    %dma_wait3A_254 = arith.constant 0 : i32
    %dma_wait3A_255 = tpu.memref_slice %arg4[%add3A_243, %dma_wait3A_254] : memref<100000x128xf32, #tpu.memory_space<hbm>> -> memref<128x128xf32, #tpu.memory_space<hbm>>
    %dma_wait3A_256 = arith.constant 0 : i32
    %dma_wait3A_257 = arith.constant 0 : i32
    %dma_wait3A_258 = tpu.memref_slice %arg7[%dma_wait3A_244, %dma_wait3A_256, %dma_wait3A_257] : memref<4x128x128xf32, #tpu.memory_space<vmem>> -> memref<1x128x128xf32, #tpu.memory_space<vmem>>
    %dma_wait3A_259 = tpu.memref_squeeze %dma_wait3A_258 : memref<1x128x128xf32, #tpu.memory_space<vmem>> -> memref<128x128xf32, #tpu.memory_space<vmem>>
    tpu.wait_dma2 semaphore(%dma_wait3A_253 : memref<!tpu.dma_semaphore, #tpu.memory_space<semaphore_mem>>) src(%dma_wait3A_259 : memref<128x128xf32, #tpu.memory_space<vmem>>) dst(%dma_wait3A_255 : memref<128x128xf32, #tpu.memory_space<hbm>>)
    %multiple_of3A_260 = arith.constant 2816 : i32
    %multiple_of3A_261 = tpu.assume_multiple %multiple_of3A_260, 128 : i32
    %add3A_262 = arith.addi %min3A_3, %multiple_of3A_261 : i32
    %dma_wait3A_263 = arith.constant 2 : i32
    %dma_wait3A_264 = arith.constant 2 : i32
    %dma_wait3A_265 = arith.constant 0 : i32
    %dma_wait3A_266 = arith.constant 0 : i32
    %dma_wait3A_267 = tpu.memref_slice %arg7[%dma_wait3A_263, %dma_wait3A_265, %dma_wait3A_266] : memref<4x128x128xf32, #tpu.memory_space<vmem>> -> memref<1x128x128xf32, #tpu.memory_space<vmem>>
    %dma_wait3A_268 = tpu.memref_squeeze %dma_wait3A_267 : memref<1x128x128xf32, #tpu.memory_space<vmem>> -> memref<128x128xf32, #tpu.memory_space<vmem>>
    %dma_wait3A_269 = arith.constant 0 : i32
    %dma_wait3A_270 = tpu.memref_slice %arg4[%add3A_262, %dma_wait3A_269] : memref<100000x128xf32, #tpu.memory_space<hbm>> -> memref<128x128xf32, #tpu.memory_space<hbm>>
    %dma_wait3A_271 = tpu.memref_slice %arg10[%dma_wait3A_264] : memref<4x!tpu.dma_semaphore, #tpu.memory_space<semaphore_mem>> -> memref<1x!tpu.dma_semaphore, #tpu.memory_space<semaphore_mem>>
    %dma_wait3A_272 = tpu.memref_squeeze %dma_wait3A_271 : memref<1x!tpu.dma_semaphore, #tpu.memory_space<semaphore_mem>> -> memref<!tpu.dma_semaphore, #tpu.memory_space<semaphore_mem>>
    %dma_wait3A_273 = arith.constant 0 : i32
    %dma_wait3A_274 = tpu.memref_slice %arg4[%add3A_262, %dma_wait3A_273] : memref<100000x128xf32, #tpu.memory_space<hbm>> -> memref<128x128xf32, #tpu.memory_space<hbm>>
    %dma_wait3A_275 = arith.constant 0 : i32
    %dma_wait3A_276 = arith.constant 0 : i32
    %dma_wait3A_277 = tpu.memref_slice %arg7[%dma_wait3A_263, %dma_wait3A_275, %dma_wait3A_276] : memref<4x128x128xf32, #tpu.memory_space<vmem>> -> memref<1x128x128xf32, #tpu.memory_space<vmem>>
    %dma_wait3A_278 = tpu.memref_squeeze %dma_wait3A_277 : memref<1x128x128xf32, #tpu.memory_space<vmem>> -> memref<128x128xf32, #tpu.memory_space<vmem>>
    tpu.wait_dma2 semaphore(%dma_wait3A_272 : memref<!tpu.dma_semaphore, #tpu.memory_space<semaphore_mem>>) src(%dma_wait3A_278 : memref<128x128xf32, #tpu.memory_space<vmem>>) dst(%dma_wait3A_274 : memref<128x128xf32, #tpu.memory_space<hbm>>)
    %multiple_of3A_279 = arith.constant 2944 : i32
    %multiple_of3A_280 = tpu.assume_multiple %multiple_of3A_279, 128 : i32
    %add3A_281 = arith.addi %min3A_3, %multiple_of3A_280 : i32
    %dma_wait3A_282 = arith.constant 3 : i32
    %dma_wait3A_283 = arith.constant 3 : i32
    %dma_wait3A_284 = arith.constant 0 : i32
    %dma_wait3A_285 = arith.constant 0 : i32
    %dma_wait3A_286 = tpu.memref_slice %arg7[%dma_wait3A_282, %dma_wait3A_284, %dma_wait3A_285] : memref<4x128x128xf32, #tpu.memory_space<vmem>> -> memref<1x128x128xf32, #tpu.memory_space<vmem>>
    %dma_wait3A_287 = tpu.memref_squeeze %dma_wait3A_286 : memref<1x128x128xf32, #tpu.memory_space<vmem>> -> memref<128x128xf32, #tpu.memory_space<vmem>>
    %dma_wait3A_288 = arith.constant 0 : i32
    %dma_wait3A_289 = tpu.memref_slice %arg4[%add3A_281, %dma_wait3A_288] : memref<100000x128xf32, #tpu.memory_space<hbm>> -> memref<128x128xf32, #tpu.memory_space<hbm>>
    %dma_wait3A_290 = tpu.memref_slice %arg10[%dma_wait3A_283] : memref<4x!tpu.dma_semaphore, #tpu.memory_space<semaphore_mem>> -> memref<1x!tpu.dma_semaphore, #tpu.memory_space<semaphore_mem>>
    %dma_wait3A_291 = tpu.memref_squeeze %dma_wait3A_290 : memref<1x!tpu.dma_semaphore, #tpu.memory_space<semaphore_mem>> -> memref<!tpu.dma_semaphore, #tpu.memory_space<semaphore_mem>>
    %dma_wait3A_292 = arith.constant 0 : i32
    %dma_wait3A_293 = tpu.memref_slice %arg4[%add3A_281, %dma_wait3A_292] : memref<100000x128xf32, #tpu.memory_space<hbm>> -> memref<128x128xf32, #tpu.memory_space<hbm>>
    %dma_wait3A_294 = arith.constant 0 : i32
    %dma_wait3A_295 = arith.constant 0 : i32
    %dma_wait3A_296 = tpu.memref_slice %arg7[%dma_wait3A_282, %dma_wait3A_294, %dma_wait3A_295] : memref<4x128x128xf32, #tpu.memory_space<vmem>> -> memref<1x128x128xf32, #tpu.memory_space<vmem>>
    %dma_wait3A_297 = tpu.memref_squeeze %dma_wait3A_296 : memref<1x128x128xf32, #tpu.memory_space<vmem>> -> memref<128x128xf32, #tpu.memory_space<vmem>>
    tpu.wait_dma2 semaphore(%dma_wait3A_291 : memref<!tpu.dma_semaphore, #tpu.memory_space<semaphore_mem>>) src(%dma_wait3A_297 : memref<128x128xf32, #tpu.memory_space<vmem>>) dst(%dma_wait3A_293 : memref<128x128xf32, #tpu.memory_space<hbm>>)
    %dma_wait3A_298 = arith.constant 0 : i32
    %dma_wait3A_299 = tpu.memref_slice %arg4[%add3A_151, %dma_wait3A_298] : memref<100000x128xf32, #tpu.memory_space<hbm>> -> memref<56x128xf32, #tpu.memory_space<hbm>>
    %dma_wait3A_300 = arith.constant 0 : i32
    %dma_wait3A_301 = tpu.memref_slice %arg4[%add3A_151, %dma_wait3A_300] : memref<100000x128xf32, #tpu.memory_space<hbm>> -> memref<56x128xf32, #tpu.memory_space<hbm>>
    tpu.wait_dma2 semaphore(%arg11 : memref<!tpu.dma_semaphore, #tpu.memory_space<semaphore_mem>>) src(%arg8 : memref<56x128xf32, #tpu.memory_space<vmem>>) dst(%dma_wait3A_301 : memref<56x128xf32, #tpu.memory_space<hbm>>)
    return
  }
}

</mosaic_0001>

<sc_bundles>
// kernel: kernel.3.cloned.1.call-start
scs
__scs_entry_jumppad:
0x0: {  	(pc) =	sbr.rel $0x88, $3  }
0x1: {  	(tag) =	ssettag $0x0;
	lr =	simm.s32 $0x1  }
0x2: {  	[smem:$0x3F9F] =	sst lr;
	_ =	strace $0xD0000000  }
0x3: {  	_ = 	snop  }
0x4: {  	_ = 	snop  }
0x5: {  	_ = 	snop  }
0x6: {  	_ = 	snop  }
0x7: {  	_ = 	snop  }
__scs_overlays_trampoline_lowered:
0x8: {  	[smem:$0x3FAE] =	sst s0  }
0x9: {  	[smem:$0x3FAF] =	sst s1  }
0xa: {  	[smem:$0x3FB0] =	sst s2  }
0xb: {  	[smem:$0x3FB1] =	sst s3  }
0xc: {  	[smem:$0x3FB2] =	sst s4  }
0xd: {  	[smem:$0x3FB3] =	sst s5  }
0xe: {  	[smem:$0x3FB4] =	sst s6  }
0xf: {  	[smem:$0x3FB5] =	sst s7  }
0x10: {  	[smem:$0x3FB6] =	sst s8  }
0x11: {  	[smem:$0x3FB7] =	sst s9;
	s0 =	simm.s32 @!p0 $0x0  }
0x12: {  	s1 =	sld [smem:$0x3F9D];
	s0 =	simm.s32 @p0 $0x1  }
0x13: {  	[smem:$0x3FB8] =	sst s0;
	s0 =	simm.s32 @!p1 $0x0  }
0x14: {  	s2 =	sld [smem:$0x3F9C];
	s0 =	simm.s32 @p1 $0x1  }
0x15: {  	[smem:$0x3FB9] =	sst s0;
	s0 =	simm.s32 @!p2 $0x0  }
0x16: {  	s3 =	sld [smem:$0x3FDB];
	s0 =	simm.s32 @p2 $0x1  }
0x17: {  	s4 =	simm.s32 $0x1BF5;
	[smem:$0x3FBB] =	sst s0  }
0x18: {  	s0 =	sld [smem:$0x3F9E];
	_ =	swait.ge [sflag:s4], $0x0  }
0x19: {  	s7 =	sld [smem:$0x3F9F]  }
0x1a: {  	s8 =	sadd.s32 $0xFFFFE003, lr  }
0x1b: {  	s9 =	sadd.s32 $0xFFFFFEF7, lr;
	s5 =	simm.s32 $0xFFFFFFFF;
	p2 =	slt.u32 s8, $0xFFFFF086  }
0x1c: {  	p1 =	slt.u32 s9, $0xF7A;
	s5 =	simm.s32 @!p2 $0x0  }
0x1d: {  	s5 =	simm.s32 @p1 $0x1;
	p0 =	seq.s32 s7, s2  }
0x1e: {  	s7 =	smul.u32 @!p0 $0xF7A, s2;
	p2 =	seq.s32 @!p0 s5, $0x0  }
0x1f: {  	s9 =	smul.u32 $0xF7A, s1;
	s8 =	simm.s32 @!p0 $0x1BF5;
	p2 =	por !p2, p0  }
0x20: {  	[sflag:s8] =	ssyncset.s32 @!p0 $0xFFFFF086;
	s6 =	sadd.s32 @!p0 s3, s7;
	s7 =	simm.s32 @!p0 $0x108  }
0x21: {  	s3 =	sadd.s32 s3, s9;
	s6 =	sadd.s32 @!p0 $0x88, s6;
	s7 =	simm.s32 @p2 $0x1082  }
0x22: {  	[simem:s7], [sflag:s8] =	dma.local @!p0 [hbm:s6], $0xF7A  }
0x23: {  	s9 =	sor.u32 $0xD0000000, s2;
	s6 =	simm.s32 $0x108;
	_ =	swait.ge @!p0 [sflag:s8], $0x0  }
0x24: {  	s3 =	sadd.s32 $0x88, s3;
	s6 =	simm.s32 @!p1 $0x1082;
	[sflag:s4] =	ssyncset.s32 $0xFFFFF086  }
0x25: {  	[simem:s6], [sflag:s4] =	dma.local [hbm:s3], $0xF7A  }
0x26: {  	[smem:$0x3F9F] =	sst s1;
	(tag) =	ssettag s2;
	_ =	strace s9  }
0x27: {  	s1 =	sld [smem:$0x3FAF]  }
0x28: {  	s2 =	sld [smem:$0x3FB0]  }
0x29: {  	s4 =	sld [smem:$0x3FB2]  }
0x2a: {  	p0 =	seq.s32 s5, $0x0;
	s5 =	sld [smem:$0x3FB3]  }
0x2b: {  	s6 =	sld [smem:$0x3FB4]  }
0x2c: {  	s7 =	sld [smem:$0x3FB5]  }
0x2d: {  	s3 =	simm.s32 $0x108;
	s8 =	sld [smem:$0x3FB6]  }
0x2e: {  	s3 =	simm.s32 @!p0 $0x1082;
	s9 =	sld [smem:$0x3FB7]  }
0x2f: {  	lr =	sadd.s32 s0, s3;
	s0 =	sld [smem:$0x3FAE]  }
0x30: {  	s3 =	sld [smem:$0x3FB1]  }
0x31: {  	[smem:$0x3FBA] =	sst s10  }
0x32: {  	s10 =	sld [smem:$0x3FB8];
	_ =	sdelay $0x3  }
0x33: {  	p0 =	seq.s32 s10, $0x1;
	s10 =	sld [smem:$0x3FBA];
	_ =	sdelay $0x3  }
0x34: {  	[smem:$0x3FBA] =	sst s10  }
0x35: {  	s10 =	sld [smem:$0x3FB9];
	_ =	sdelay $0x3  }
0x36: {  	p1 =	seq.s32 s10, $0x1;
	s10 =	sld [smem:$0x3FBA];
	_ =	sdelay $0x3  }
0x37: {  	[smem:$0x3FBA] =	sst s10  }
0x38: {  	s10 =	sld [smem:$0x3FBB]  }
0x39: {  	_ = 	snop;
	(pc) =	sbr.ind lr, $3  }
0x3a: {  	_ = 	snop  }
0x3b: {  	_ = 	snop  }
0x3c: {  	p2 =	seq.s32 s10, $0x1;
	s10 =	sld [smem:$0x3FBA]  }
0x3d: {  	_ =	shalt  }
0x3e: {  	_ =	shalt  }
0x3f: {  	_ =	shalt  }
0x40: {  	_ =	shalt  }
0x41: {  	_ =	shalt  }
0x42: {  	_ =	shalt  }
0x43: {  	_ =	shalt  }
0x44: {  	_ =	shalt  }
0x45: {  	_ =	shalt  }
0x46: {  	_ =	shalt  }
0x47: {  	_ =	shalt  }
0x48: {  	_ =	shalt  }
0x49: {  	_ =	shalt  }
0x4a: {  	_ =	shalt  }
0x4b: {  	_ =	shalt  }
0x4c: {  	_ =	shalt  }
0x4d: {  	_ =	shalt  }
0x4e: {  	_ =	shalt  }
0x4f: {  	_ =	shalt  }
0x50: {  	_ =	shalt  }
0x51: {  	_ =	shalt  }
0x52: {  	_ =	shalt  }
0x53: {  	_ =	shalt  }
0x54: {  	_ =	shalt  }
0x55: {  	_ =	shalt  }
0x56: {  	_ =	shalt  }
0x57: {  	_ =	shalt  }
0x58: {  	_ =	shalt  }
0x59: {  	_ =	shalt  }
0x5a: {  	_ =	shalt  }
0x5b: {  	_ =	shalt  }
0x5c: {  	_ =	shalt  }
0x5d: {  	_ =	shalt  }
0x5e: {  	_ =	shalt  }
0x5f: {  	_ =	shalt  }
0x60: {  	_ =	shalt  }
0x61: {  	_ =	shalt  }
0x62: {  	_ =	shalt  }
0x63: {  	_ =	shalt  }
0x64: {  	_ =	shalt  }
0x65: {  	_ =	shalt  }
0x66: {  	_ =	shalt  }
0x67: {  	_ =	shalt  }
0x68: {  	_ =	shalt  }
0x69: {  	_ =	shalt  }
0x6a: {  	_ =	shalt  }
0x6b: {  	_ =	shalt  }
0x6c: {  	_ =	shalt  }
0x6d: {  	_ =	shalt  }
0x6e: {  	_ =	shalt  }
0x6f: {  	_ =	shalt  }
0x70: {  	_ =	shalt  }
0x71: {  	_ =	shalt  }
0x72: {  	_ =	shalt  }
0x73: {  	_ =	shalt  }
0x74: {  	_ =	shalt  }
0x75: {  	_ =	shalt  }
0x76: {  	_ =	shalt  }
0x77: {  	_ =	shalt  }
0x78: {  	_ =	shalt  }
0x79: {  	_ =	shalt  }
0x7a: {  	_ =	shalt  }
0x7b: {  	_ =	shalt  }
0x7c: {  	_ =	shalt  }
0x7d: {  	_ =	shalt  }
0x7e: {  	_ =	shalt  }
0x7f: {  	_ =	shalt  }
0x80: {  	_ =	shalt  }
0x81: {  	_ =	shalt  }
0x82: {  	_ =	shalt  }
0x83: {  	_ =	shalt  }
0x84: {  	_ =	shalt  }
0x85: {  	_ =	shalt  }
0x86: {  	_ =	shalt  }
0x87: {  	_ =	shalt  }
.Lfunc_end0:
.L_simem_size_0:
called_computation_lowered:
.L_overlay_start_0:
0x88: {  	s2 =	sld [smem:$0x3FD9]  }
0x89: {  	s3 =	sld [smem:$0x3FFE];
	_ =	sdelay $0x1  }
0x8a: {  	s1 =	srdreg.scid  }
0x8b: {  	s0 =	sand.u32 $0x1, s1  }
0x8c: {  	s18 =	sshll.u32 s0, $0xA;
	s2 =	sadd.s32 s3, s2  }
0x8d: {  	s2 =	sadd.s32 s2, s18  }
0x8e: {  	[smem:$0x3FC6] =	sst s2  }
0x8f: {  	_ = 	snop  }
0x90: {  	s2 =	sld [smem:$0x3FC9]  }
0x91: {  	s19 =	sld [smem:$0x3FC8]  }
0x92: {  	s4 =	sld [smem:$0x3FD0];
	(tm) =	ssettm $0x1  }
0x93: {  	s5 =	sld [smem:$0x3FFB];
	_ =	sdelay $0x3  }
0x94: {  	_ =	strace s5  }
0x95: {  	s5 =	sld [smem:$0x3FFC];
	_ =	sdelay $0x3  }
0x96: {  	_ =	strace s5  }
0x97: {  	s5 =	sld [smem:$0x3FFD];
	_ =	sdelay $0x3  }
0x98: {  	_ =	strace s5  }
0x99: {  	_ =	strace $0x8FFFFFFF  }
0x9a: {  	s20 =	sld [smem:$0x3FDB];
	_ =	sdelay $0x1  }
0x9b: {  	s6 =	simm.s32 $_scs_section_size  }
0x9c: {  	s7 =	simm.s32 $_size__tile_overlayer_lowered;
	s8 =	simm.s32 $_tile_overlayer_lowered  }
0x9d: {  	s23 =	simm.s32 $0x1BFF;
	s22 =	sshll.u32 s8, $0x1;
	s5 =	sadd.s32 s6, s20  }
0x9e: {  	s9 =	simm.s32 $0x0;
	s21 =	sshll.u32 s7, $0x1;
	s7 =	sadd.s32 s22, s5  }
0x9f: {  	[timem:s9], [sflag:s23] =	dma.local [hbm:s7], s21  }
0xa0: {  	_ =	swait.ge [sflag:s23], s21  }
0xa1: {  	s6 =	ssub.s32 $0x0, s21;
	[sflag:s23] =	ssyncset.done $0x0  }
0xa2: {  	[sflag:s23] =	ssyncadd.s32 s6;
	_ =	sdelay $0x1  }
0xa3: {  	s24 =	simm.s32 $0x1B8B  }
0xa4: {  	_ =	swait.ge [sflag:s24], $0x1  }
0xa5: {  	[sflag:s24] =	ssyncset.done $0x0  }
0xa6: {  	s25 =	simm.s32 $0x1B8E;
	[sflag:s24] =	ssyncadd.s32 $0xFFFFFFFF  }
0xa7: {  	s26 =	simm.s32 $execute0_lowered;
	[smem:$0x3FD2] =	sst s25  }
0xa8: {  	s6 =	sshll.u32 s26, $0x1;
	_ =	strace $0x80000046;
	[dreg:$0x1] =	wrdreg $0xFFFFFFFF  }
0xa9: {  	s28 =	simm.s32 $_size_execute0_lowered;
	s5 =	sadd.s32 s5, s6;
	[dreg:$0x0] =	wrdreg $0x0  }
0xaa: {  	s6 =	sshll.u32 s28, $0x1;
	[dreg:$0x2] =	wrdreg s5  }
0xab: {  	[dreg:$0x3] =	wrdreg s6  }
0xac: {  	[dreg:$0x4] =	wrdreg $0xC0  }
0xad: {  	_ =	task [dreg:s9], $0x5FFFF  }
0xae: {  	[dreg:$0x1] =	wrdreg $0xFFFFFFFF  }
0xaf: {  	[dreg:$0x0] =	wrdreg $0x60  }
0xb0: {  	[dreg:$0x2] =	wrdreg s2  }
0xb1: {  	[dreg:$0x3] =	wrdreg s19  }
0xb2: {  	[dreg:$0x4] =	wrdreg s4  }
0xb3: {  	[dreg:$0x5] =	wrdreg $0x0  }
0xb4: {  	[dreg:$0x6] =	wrdreg $0x9  }
0xb5: {  	_ =	task.clear_ibuf [dreg:s9], $0x7FFFF;
	_ =	strace $0x90000046  }
0xb6: {  	s29 =	simm.s32 $0x9;
	_ =	strace $0x80000048  }
0xb7: {  	_ =	swait.ge [sflag:s29], $0x1  }
0xb8: {  	[sflag:s29] =	ssyncadd.s32 $0xFFFFFFFF  }
0xb9: {  	_ =	strace $0x90000048  }
0xba: {  	_ =	sfence  }
0xbb: {  	s30 =	sld [smem:$0x0];
	_ =	sdelay $0x2  }
0xbc: {  	s31 =	sshll.u32 s1, $0xD;
	s1 =	sshrl.u32 s1, $0x2  }
0xbd: {  	s3 =	sand.u32 $0x4000, s31;
	s1 =	sadd.s32 s1, s30  }
0xbe: {  	s0 =	sor.u32 s3, s0;
	s1 =	sshll.u32 s1, $0x11  }
0xbf: {  	s0 =	sor.u32 s1, s0  }
0xc0: {  	s0 =	sadd.s32 $0x8F2B, s0  }
0xc1: {  	[sflag:s0] =	ssyncadd.remote.s32 $0x1  }
0xc2: {  	_ =	sfence.sel $0xFFFF  }
0xc3: {  	[dreg:$0x0] =	wrdreg $0xFFFFFFFF;
	(pc) =	sbr.abs _section_cstart, $3  }
0xc4: {  	[dreg:$0x1] =	wrdreg $0xFFFFFFFF  }
0xc5: {  	_ =	task.clear_ibuf [dreg:s9], $0x2FFFF;
	_ =	strace $0x9FFFFFFF  }
0xc6: {  	(tm) =	ssettm $0x7FFFFFFF  }
0xc7: {  	_ =	shalt  }
tec
execute0_lowered:
.L_overlay_start_1:
0x0: {  	(tag) =	ssettag $0x1  }
0x1: {  	s0 =	rddreg [dreg:$0x0]  }
0x2: {  	s1 =	rddreg [dreg:$0x2];
	s3 =	srdreg.scid  }
0x3: {  	s4 =	stileid.u32;
	s2 =	rddreg [dreg:$0x3]  }
0x4: {  	s14 =	simm.s32 $0x1;
	s17 =	simm.s32 $0x10D28;
	s18 =	simm.s32 $0x80  }
0x5: {  	s19 =	simm.s32 $0xD28;
	s28 =	simm.s32 $0x9;
	s29 =	simm.s32 $0x3  }
0x6: {  	s30 =	simm.s32 $0x4;
	s31 =	simm.s32 $0x5;
	s15 =	simm.s32 $0x8  }
0x7: {  	s16 =	simm.s32 $0x0;
	s5 =	sand.u32 $0x1, s3;
	s6 =	sshll.u32 s4, $0x1  }
0x8: {  	s3 =	simm.s32 $0x0;
	s8 =	smul.u32 $0x1870, s4;
	s6 =	sor.u32 s5, s6  }
0x9: {  	p0 =	sne.s32 s4, $0x0;
	s7 =	ssub.s32 $0x2, s5;
	s6 =	smul.u32 $0xC38, s6  }
0xa: {  	[smem:$0x7FF] =	sst s3;
	s10 =	smul.u32 $0xC38, s5;
	s9 =	sshrl.u32 s7, $0x1  }
0xb: {  	_ =	strace $0x80000047;
	s7 =	ssub.s32 s7, s9;
	s6 =	smin.u32 s6, $0x17A68  }
0xc: {  	s26 =	smax.u32 s7, $0x1;
	s21 =	sshrl.u32 s6, $0x3;
	s6 =	sshll.u32 s6, $0x4  }
0xd: {  	[dreg:$0xa] =	wrdreg s26;
	s0 =	sadd.s32 s0, s21;
	s5 =	sadd.s32 s1, s6  }
0xe: {  	s13 =	sshrl.u32 @!p0 s2, $0x3;
	[dreg:$0x5] =	wrdreg s0;
	s6 =	sadd.s32 $0x800, s5  }
0xf: {  	s22 =	sadd.s32 s10, s8;
	s23 =	sadd.s32 $0xC000, s5;
	[dreg:$0x6] =	wrdreg s6  }
0x10: {  	s26 =	simm.s32 $0x2;
	s24 =	sadd.s32 $0xB000, s5;
	[dreg:$0x7] =	wrdreg s23  }
0x11: {  	s0 =	smin.u32 s22, $0x17A68;
	s25 =	sadd.s32 $0xB800, s5;
	[dreg:$0x8] =	wrdreg s24  }
0x12: {  	s21 =	simm.s32 $0x4D28;
	[dreg:$0x9] =	wrdreg s25;
	s0 =	sshll.u32 s0, $0x4  }
0x13: {  	s23 =	simm.s32 $0x8D28;
	s25 =	simm.s32 $0xCD28;
	s0 =	sadd.s32 s0, s1  }
0x14: {  	s1 =	simm.s32 $0x6;
	s4 =	sadd.s32 $0x1000, s0;
	s0 =	simm.s32 $0x7  }
.LBB2_1:
0x15: {  	s6 =	rddreg [dreg:$0x5];
	s8 =	simm.s32 $0xA8  }
0x16: {  	[tilespmem:s8], [sflag:$0x1] =	stream.linear.gather [hbm4b:s6+s3], $0xC38, $0x38;
	[tilespmem:$0x12928] =	vst v63  }
0x17: {  	s7 =	rddreg [dreg:$0x1];
	s6 =	simm.s32 @!p0 $0x1C09  }
0x18: {  	[spmem:s13], [sflag:s6] =	dma.local @!p0 [hbm:s7], $0x150  }
0x19: {  	s6 =	simm.s32 @!p0 $0x9  }
0x1a: {  	_ =	swait.ge @!p0 [sflag:s6], $0x150  }
0x1b: {  	[sflag:s6] =	ssyncset.done @!p0 $0x0  }
0x1c: {  	[sflag:s6] =	ssyncadd.s32 @!p0 $0xFFFFFEB0  }
0x1d: {  	_ =	swait.ge [sflag:s14], $0xC38  }
0x1e: {  	[sflag:s14] =	ssyncset.done $0x0  }
0x1f: {  	[sflag:s14] =	ssyncadd.s32 $0xFFFFF3C8  }
0x20: {  	s10 =	simm.s32 $0x38;
	s11 =	simm.s32 $0xCA8;
	[bflag:$0x0] =	sbarrier.arrive $0xFFFF  }
0x21: {  	[tilespmem:s17], [sflag:$0x9] =	stream.indirect.gather [spmem:s2], $0x80, s11, s10, $0xb8;
	[tilespmem:$0x12928] =	vst v63  }
0x22: {  	_ = 	snop  }
0x23: {  	[tilespmem:s19], [sflag:$0x1] =	stream.indirect.gather [spmem:s2], $0x80, s8, s18, $0xb8;
	[tilespmem:$0x12928] =	vst v63  }
0x24: {  	s12 =	simm.s32 $0x128  }
0x25: {  	[tilespmem:s21], [sflag:$0x2] =	stream.indirect.gather [spmem:s2], $0x80, s12, s18, $0xb8;
	[tilespmem:$0x12928] =	vst v63  }
0x26: {  	s20 =	simm.s32 $0x1A8  }
0x27: {  	[tilespmem:s23], [sflag:$0x3] =	stream.indirect.gather [spmem:s2], $0x80, s20, s18, $0xb8;
	[tilespmem:$0x12928] =	vst v63  }
0x28: {  	_ =	swait.ge [sflag:s14], $0x4000  }
0x29: {  	[sflag:s14] =	ssyncset.done $0x0  }
0x2a: {  	[sflag:s14] =	ssyncadd.s32 $0xFFFFC000  }
0x2b: {  	[hbm4b:s5+s3] =	stream.linear.scatter [tilespmem:s19], [sflag:$0x5], $0x4000, $0x38;
	[tilespmem:$0x12928] =	vst v63  }
0x2c: {  	s22 =	simm.s32 $0x228  }
0x2d: {  	[tilespmem:s25], [sflag:$0x4] =	stream.indirect.gather [spmem:s2], $0x80, s22, s18, $0xb8;
	[tilespmem:$0x12928] =	vst v63  }
0x2e: {  	s7 =	sand.u32 $0x3, s30;
	_ =	swait.ge [sflag:s26], $0x4000  }
0x2f: {  	s6 =	sadd.s32 $0x1, s7;
	[sflag:s26] =	ssyncset.done $0x0  }
0x30: {  	s8 =	sadd.s32 $0x5, s7;
	s24 =	rddreg [dreg:$0x6];
	[sflag:s26] =	ssyncadd.s32 $0xFFFFC000  }
0x31: {  	[hbm4b:s24+s3] =	stream.linear.scatter [tilespmem:s21], [sflag:$0x6], $0x4000, $0x38;
	[tilespmem:$0x12928] =	vst v63  }
0x32: {  	s11 =	simm.s32 $0x2A8;
	s10 =	sxor.u32 $0x2, s7;
	_ =	swait.ge [sflag:s8], $0x4000  }
0x33: {  	s9 =	sadd.s32 $0x1, s10;
	s20 =	sshll.u32 s7, $0xE;
	[sflag:s8] =	ssyncset.done $0x0  }
0x34: {  	s12 =	sshll.u32 s10, $0xE;
	s20 =	sor.u32 $0xD28, s20;
	[sflag:s8] =	ssyncadd.s32 $0xFFFFC000  }
0x35: {  	[tilespmem:s20], [sflag:s6] =	stream.indirect.gather [spmem:s2], $0x80, s11, s18, $0xb8;
	[tilespmem:$0x12928] =	vst v63  }
0x36: {  	s7 =	sor.u32 $0xD28, s12;
	s22 =	sadd.s32 $0x800, s4;
	_ =	swait.ge [sflag:s9], $0x4000  }
0x37: {  	s24 =	simm.s32 $0x328;
	s20 =	simm.s32 $0x5;
	[sflag:s9] =	ssyncset.done $0x0  }
0x38: {  	s6 =	sadd.s32 $0x5, s10;
	s11 =	smov.u32 s4;
	[sflag:s9] =	ssyncadd.s32 $0xFFFFC000  }
.LBB2_2:
0x39: {  	[hbm4b:s11+s3] =	stream.linear.scatter [tilespmem:s7], [sflag:s6], $0x4000, $0x38;
	[tilespmem:$0x12928] =	vst v63  }
0x3a: {  	s6 =	sand.u32 $0x3, s20;
	p1 =	sne.s32 s20, $0x17;
	s20 =	sadd.s32 $0x1, s20  }
0x3b: {  	s7 =	sxor.u32 $0x2, s6;
	s8 =	sadd.s32 $0x5, s6;
	s9 =	sshll.u32 s6, $0xE  }
0x3c: {  	s11 =	smov.u32 s22;
	s10 =	sshll.u32 s7, $0xE;
	_ =	swait.ge [sflag:s8], $0x4000  }
0x3d: {  	s6 =	sadd.s32 $0x1, s6;
	s12 =	sadd.s32 $0x1, s7;
	[sflag:s8] =	ssyncset.done $0x0  }
.Ltmp0:
0x3e: {  	s9 =	sor.u32 $0xD28, s9;
	[sflag:s8] =	ssyncadd.s32 $0xFFFFC000;
	(pc) =	sbr.rel @p1 .LBB2_2-.Ltmp0, $4  }
0x3f: {  	[tilespmem:s9], [sflag:s6] =	stream.indirect.gather [spmem:s2], $0x80, s24, s18, $0xb8;
	[tilespmem:$0x12928] =	vst v63  }
0x40: {  	_ =	swait.ge [sflag:s12], $0x4000  }
0x41: {  	s22 =	sadd.s32 $0x800, s22;
	s24 =	sadd.s32 $0x80, s24;
	[sflag:s12] =	ssyncset.done $0x0  }
0x42: {  	s6 =	sadd.s32 $0x5, s7;
	s7 =	sor.u32 $0xD28, s10;
	[sflag:s12] =	ssyncadd.s32 $0xFFFFC000  }
0x43: {  	[hbm4b:s11+s3] =	stream.linear.scatter [tilespmem:s7], [sflag:s6], $0x4000, $0x38;
	[tilespmem:$0x12928] =	vst v63  }
0x44: {  	_ =	swait.ge [sflag:s28], $0x1C00  }
0x45: {  	[sflag:s28] =	ssyncset.done $0x0  }
0x46: {  	s12 =	rddreg [dreg:$0x7];
	[sflag:s28] =	ssyncadd.s32 $0xFFFFE400  }
0x47: {  	[hbm4b:s12+s3] =	stream.linear.scatter [tilespmem:s17], [sflag:$0x9], $0x1C00, $0x38;
	[tilespmem:$0x12928] =	vst v63  }
0x48: {  	_ =	swait.ge [sflag:s29], $0x4000  }
0x49: {  	[sflag:s29] =	ssyncset.done $0x0  }
0x4a: {  	s20 =	rddreg [dreg:$0x8];
	[sflag:s29] =	ssyncadd.s32 $0xFFFFC000  }
0x4b: {  	[hbm4b:s20+s3] =	stream.linear.scatter [tilespmem:s23], [sflag:$0x7], $0x4000, $0x38;
	[tilespmem:$0x12928] =	vst v63  }
0x4c: {  	_ =	swait.ge [sflag:s30], $0x4000  }
0x4d: {  	[sflag:s30] =	ssyncset.done $0x0  }
0x4e: {  	s22 =	rddreg [dreg:$0x9];
	[sflag:s30] =	ssyncadd.s32 $0xFFFFC000  }
0x4f: {  	[hbm4b:s22+s3] =	stream.linear.scatter [tilespmem:s25], [sflag:$0x8], $0x4000, $0x38;
	[tilespmem:$0x12928] =	vst v63  }
0x50: {  	_ =	swait.ge [sflag:s31], $0x4000  }
0x51: {  	[sflag:s31] =	ssyncset.done $0x0  }
0x52: {  	[sflag:s31] =	ssyncadd.s32 $0xFFFFC000  }
0x53: {  	_ =	swait.ge [sflag:s1], $0x4000  }
0x54: {  	[sflag:s1] =	ssyncset.done $0x0  }
0x55: {  	[sflag:s1] =	ssyncadd.s32 $0xFFFFC000  }
0x56: {  	_ =	swait.ge [sflag:s0], $0x4000  }
0x57: {  	[sflag:s0] =	ssyncset.done $0x0  }
0x58: {  	[sflag:s0] =	ssyncadd.s32 $0xFFFFC000  }
0x59: {  	_ =	swait.ge [sflag:s15], $0x4000  }
0x5a: {  	[sflag:s15] =	ssyncset.done $0x0  }
0x5b: {  	[sflag:s15] =	ssyncadd.s32 $0xFFFFC000  }
0x5c: {  	_ =	swait.ge [sflag:s28], $0x1C00  }
0x5d: {  	s16 =	sadd.s32 $0x1, s16;
	s24 =	rddreg [dreg:$0xa]  }
0x5e: {  	p1 =	sne.s32 s16, s24  }
.Ltmp1:
0x5f: {  	_ = 	snop;
	(pc) =	sbr.rel @p1 .LBB2_1-.Ltmp1, $3  }
0x60: {  	_ =	sdelay $0x1  }
0x61: {  	[sflag:s28] =	ssyncset.done $0x0  }
0x62: {  	[sflag:s28] =	ssyncadd.s32 $0xFFFFE400  }
0x63: {  	_ =	sfence.sel $0x180000  }
0x64: {  	[bflag:$0x0] =	sbarrier.arrive $0xFFFF  }
0x65: {  	_ =	strace $0x90000047  }
0x66: {  	[bflag:$0x2] =	sbarrier.arrive $0xFFFF  }
0x67: {  	s0 =	rddreg [dreg:$0x4]  }
0x68: {  	s0 =	sadd.s32 @!p0 $0x100000, s0  }
0x69: {  	[sflag:s0] =	ssyncadd.tile.s32 @!p0 $0x1;
	_ =	shalt  }
.Lfunc_end2:
_tile_overlayer_lowered:
.L_overlay_start_2:
0x6a: {  	(tag) =	ssettag $0x2  }
0x6b: {  	s0 =	rddreg [dreg:$0x0];
	s2 =	stileid.u32  }
0x6c: {  	s1 =	rddreg [dreg:$0x1];
	p0 =	sne.s32 s2, $0x0  }
0x6d: {  	s3 =	rddreg [dreg:$0x2];
	[bflag:$0x3] =	sbarrier.arrive $0xFFFF;
	s2 =	simm.s32 @!p0 $0x1C0A  }
0x6e: {  	[timem:s3], [sflag:s2] =	dma.local @!p0 [hbm:s0], s1  }
0x6f: {  	s0 =	simm.s32 @!p0 $0xA  }
0x70: {  	_ =	swait.ge @!p0 [sflag:s0], s1  }
0x71: {  	s1 =	ssub.s32 @!p0 $0x0, s1;
	[sflag:s0] =	ssyncset.done @!p0 $0x0  }
0x72: {  	[sflag:s0] =	ssyncadd.s32 @!p0 s1  }
0x73: {  	[bflag:$0x3] =	sbarrier.arrive $0xFFFF  }
0x74: {  	_ =	shalt  }

</sc_bundles>
